<compile_context>
chip_gen: v7x
topology: tpu7x:2x2x1
jax: 0.10.2.dev20260603
libtpu: 0.0.44.dev20260713+nightly
codegen_flags: <defaults>
</compile_context>

<pallas_src>
import jax
import jax.numpy as jnp
from jax import lax
from jax.experimental import pallas as pl
from jax.experimental.pallas import tpu as pltpu
from jax.experimental.pallas import tpu_sc as plsc

B = 1024
S = 512
EMB = 128
CHUNK = 128
LANES = 16
NW = 32
NBUF = 5
DEPTH = 3
CHUNKS_PER_W = (B * S) // (CHUNK * NW)
SEQ_PER_GRP = 128


def _emb_kernel(table_hbm, idxarr_hbm, pos_hbm, out_hbm,
                pos_v, idx_v, rows0, rows1, rows2, rows3, rows4,
                g0, g1, g2, g3, g4, o0, o1, o2, o3, o4):
    cid = lax.axis_index("c")
    sid = lax.axis_index("s")
    wid = sid * 2 + cid
    quarter = wid % 4
    grp = wid // 4

    rows = [rows0, rows1, rows2, rows3, rows4]
    gsem = [g0, g1, g2, g3, g4]
    osem = [o0, o1, o2, o3, o4]

    pltpu.sync_copy(pos_hbm.at[pl.ds(quarter * CHUNK, CHUNK)], pos_v)
    pltpu.sync_copy(
        idxarr_hbm.at[pl.ds(grp * SEQ_PER_GRP, SEQ_PER_GRP),
                      pl.ds(quarter * CHUNK, CHUNK)], idx_v)

    seq0 = grp * SEQ_PER_GRP

    def fire_gather(k, bb):
        pltpu.make_async_copy(
            table_hbm.at[idx_v.at[k]], rows[bb], gsem[bb]).start()

    for k0 in range(DEPTH):
        fire_gather(k0, k0)

    def outer(g, carry):
        for bb in range(NBUF):
            k = g * NBUF + bb

            nb = (bb + DEPTH) % NBUF

            @pl.when(k + DEPTH < CHUNKS_PER_W)
            def _():
                @pl.when(k >= 2)
                def _():
                    pltpu.make_async_copy(
                        rows[nb], out_hbm.at[pl.ds(0, CHUNK)], osem[nb]
                    ).wait()
                fire_gather(k + DEPTH, nb)

            @pl.when(k < CHUNKS_PER_W)
            def _():
                pltpu.make_async_copy(
                    table_hbm.at[idx_v.at[0]], rows[bb], gsem[bb]).wait()

                rbuf = rows[bb]

                @plsc.parallel_loop(0, CHUNK, step=1, unroll=4)
                def _(t):
                    for v in range(EMB // LANES):
                        sl = pl.ds(v * LANES, LANES)
                        plsc.addupdate(rbuf.at[t, sl], pos_v[t, sl])

                tok0 = (seq0 + k) * S + quarter * CHUNK
                pltpu.make_async_copy(
                    rbuf, out_hbm.at[pl.ds(tok0, CHUNK)], osem[bb]).start()
        return carry

    n_outer = (CHUNKS_PER_W + NBUF - 1) // NBUF
    lax.fori_loop(0, n_outer, outer, 0)

    for bb in range(NBUF):
        pltpu.make_async_copy(
            rows[bb], out_hbm.at[pl.ds(0, CHUNK)], osem[bb]).wait()


@jax.jit
def _emb(table, idxarr, pos):
    mesh = plsc.VectorSubcoreMesh(core_axis_name="c", subcore_axis_name="s")
    return pl.kernel(
        _emb_kernel,
        mesh=mesh,
        out_type=jax.ShapeDtypeStruct((B * S, EMB), jnp.float32),
        scratch_types=[
            pltpu.VMEM((CHUNK, EMB), jnp.float32),
            pltpu.VMEM((SEQ_PER_GRP, CHUNK), jnp.int32),
            pltpu.VMEM((CHUNK, EMB), jnp.float32),
            pltpu.VMEM((CHUNK, EMB), jnp.float32),
            pltpu.VMEM((CHUNK, EMB), jnp.float32),
            pltpu.VMEM((CHUNK, EMB), jnp.float32),
            pltpu.VMEM((CHUNK, EMB), jnp.float32),
            pltpu.SemaphoreType.DMA,
            pltpu.SemaphoreType.DMA,
            pltpu.SemaphoreType.DMA,
            pltpu.SemaphoreType.DMA,
            pltpu.SemaphoreType.DMA,
            pltpu.SemaphoreType.DMA,
            pltpu.SemaphoreType.DMA,
            pltpu.SemaphoreType.DMA,
            pltpu.SemaphoreType.DMA,
            pltpu.SemaphoreType.DMA,
        ],
    )(table, idxarr, pos)


def kernel(inputs, token_table, position_embedding):
    out = _emb(token_table, inputs.astype(jnp.int32), position_embedding)
    return out.reshape(B, S, EMB)

# --- scband reference (transcript-rebuilt; emitter-appended) ---
"""Pipeline reference for scband-transformer-embedding-30193620091479 (READ-ONLY COPY).

The authoritative reference and input builder live on the scoring server;
editing this copy changes nothing except your own understanding.
"""

import jax, jax.numpy as jnp
import numpy as np

VOCAB = 100000
MAX_POS = 512
EMB = 128
B = 1024
S = 512

def _positional_encoding(max_positions, embedding_size):
    pos = np.arange(max_positions)[:, np.newaxis].astype(np.float64)
    d = np.arange(embedding_size)[np.newaxis, :].astype(np.float64)
    rads = 1.0 / np.power(10000, 2 * (d // 2) / np.float32(embedding_size))
    rads = pos * rads
    rads[:, 0::2] = np.sin(rads[:, 0::2])
    rads[:, 1::2] = np.cos(rads[:, 1::2])
    return jnp.asarray(rads, dtype=jnp.float32)

def setup_inputs(seed: int = 0) -> dict:
    key = jax.random.key(seed)
    k1, k2 = jax.random.split(key)
    inputs = jax.random.randint(k1, (B, S), 0, VOCAB, dtype=jnp.int64)
    # Embedding table (uniform init like keras Embedding default)
    token_table = jax.random.uniform(k2, (VOCAB, EMB), dtype=jnp.float32, minval=-0.05, maxval=0.05)
    position_embedding = _positional_encoding(MAX_POS, EMB)
    return {"inputs": inputs, "token_table": token_table, "position_embedding": position_embedding}

def reference(inputs, token_table, position_embedding):
    # token embedding lookup (gather)
    token_embeddings = jnp.take(token_table, inputs, axis=0)  # [B, S, E]
    # positional encoding sliced to seq length
    seq_len = inputs.shape[1]
    pos_embeddings = position_embedding[jnp.newaxis, :seq_len, :]  # [1, S, E]
    embedding = token_embeddings + pos_embeddings
    # dropout is identity at inference (training=None/False)
    return embedding

if __name__ == "__main__":
    import jax
    _d = setup_inputs()
    print(jax.jit(kernel)(*tuple(_d.values())))

</pallas_src>

<mosaic_0001>
#map = affine_map<(d0, d1) -> (0, 0)>
module attributes {stable_mosaic.version = 14 : i64} {
  func.func @_emb_kernel(%arg0: i32, %arg1: i32, %arg2: memref<100000x128xf32, #tpu.memory_space<hbm>>, %arg3: memref<1024x512xi32, #tpu.memory_space<hbm>>, %arg4: memref<512x128xf32, #tpu.memory_space<hbm>>, %arg5: memref<524288x128xf32, #tpu.memory_space<hbm>>, %arg6: memref<128x128xf32, #tpu.memory_space<vmem>>, %arg7: memref<128x128xi32, #tpu.memory_space<vmem>>, %arg8: memref<128x128xf32, #tpu.memory_space<vmem>>, %arg9: memref<128x128xf32, #tpu.memory_space<vmem>>, %arg10: memref<128x128xf32, #tpu.memory_space<vmem>>, %arg11: memref<128x128xf32, #tpu.memory_space<vmem>>, %arg12: memref<128x128xf32, #tpu.memory_space<vmem>>, %arg13: memref<!tpu.dma_semaphore, #tpu.memory_space<semaphore_mem>>, %arg14: memref<!tpu.dma_semaphore, #tpu.memory_space<semaphore_mem>>, %arg15: memref<!tpu.dma_semaphore, #tpu.memory_space<semaphore_mem>>, %arg16: memref<!tpu.dma_semaphore, #tpu.memory_space<semaphore_mem>>, %arg17: memref<!tpu.dma_semaphore, #tpu.memory_space<semaphore_mem>>, %arg18: memref<!tpu.dma_semaphore, #tpu.memory_space<semaphore_mem>>, %arg19: memref<!tpu.dma_semaphore, #tpu.memory_space<semaphore_mem>>, %arg20: memref<!tpu.dma_semaphore, #tpu.memory_space<semaphore_mem>>, %arg21: memref<!tpu.dma_semaphore, #tpu.memory_space<semaphore_mem>>, %arg22: memref<!tpu.dma_semaphore, #tpu.memory_space<semaphore_mem>>) attributes {dimension_semantics = [#tpu.dimension_semantics<core_parallel>, #tpu.dimension_semantics<subcore_parallel>], iteration_bounds = array<i64: 2, 16>, scalar_prefetch = 0 : i64, scratch_operands = 17 : i64, tpu.core_type = #tpu.core_type<sc_vector_subcore>, window_params = [{transform_indices = #map}, {transform_indices = #map}, {transform_indices = #map}, {transform_indices = #map}]} {
    %mul3A = arith.constant 2 : i32
    %mul3A_0 = arith.muli %arg1, %mul3A : i32
    %add3A = arith.addi %mul3A_0, %arg0 : i32
    %jit3A = arith.constant 4 : i32
    %eq3A = arith.constant 0 : i32
    %eq3A_1 = arith.cmpi eq, %jit3A, %eq3A : i32
    %jit3A_2 = arith.constant 1 : i32
    %select_n3A = arith.select %eq3A_1, %jit3A_2, %jit3A : i32
    %rem3A = arith.remsi %add3A, %select_n3A : i32
    %ne3A = arith.constant 0 : i32
    %ne3A_3 = arith.cmpi ne, %rem3A, %ne3A : i32
    %lt3A = arith.constant 0 : i32
    %lt3A_4 = arith.cmpi slt, %rem3A, %lt3A : i32
    %lt3A_5 = arith.constant 0 : i32
    %lt3A_6 = arith.cmpi slt, %select_n3A, %lt3A_5 : i32
    %ne3A_7 = arith.xori %lt3A_4, %lt3A_6 : i1
    %and3A = arith.andi %ne3A_7, %ne3A_3 : i1
    %add3A_8 = arith.addi %rem3A, %select_n3A : i32
    %select_n3A_9 = arith.select %and3A, %add3A_8, %rem3A : i32
    %jit3A_10 = arith.constant 4 : i32
    %div3A = arith.divsi %add3A, %jit3A_10 : i32
    %sign3A = arith.constant 0 : i32
    %sign3A_11 = arith.cmpi sgt, %add3A, %sign3A : i32
    %sign3A_12 = arith.extui %sign3A_11 : i1 to i32
    %sign3A_13 = arith.constant 0 : i32
    %sign3A_14 = arith.cmpi slt, %add3A, %sign3A_13 : i32
    %sign3A_15 = arith.extui %sign3A_14 : i1 to i32
    %sign3A_16 = arith.subi %sign3A_12, %sign3A_15 : i32
    %sign3A_17 = arith.constant 0 : i32
    %sign3A_18 = arith.cmpi sgt, %jit3A_10, %sign3A_17 : i32
    %sign3A_19 = arith.extui %sign3A_18 : i1 to i32
    %sign3A_20 = arith.constant 0 : i32
    %sign3A_21 = arith.cmpi slt, %jit3A_10, %sign3A_20 : i32
    %sign3A_22 = arith.extui %sign3A_21 : i1 to i32
    %sign3A_23 = arith.subi %sign3A_19, %sign3A_22 : i32
    %ne3A_24 = arith.cmpi ne, %sign3A_16, %sign3A_23 : i32
    %rem3A_25 = arith.remsi %add3A, %jit3A_10 : i32
    %ne3A_26 = arith.constant 0 : i32
    %ne3A_27 = arith.cmpi ne, %rem3A_25, %ne3A_26 : i32
    %and3A_28 = arith.andi %ne3A_24, %ne3A_27 : i1
    %sub3A = arith.constant 1 : i32
    %sub3A_29 = arith.subi %div3A, %sub3A : i32
    %select_n3A_30 = arith.select %and3A_28, %sub3A_29, %div3A : i32
    %mul3A_31 = arith.constant 128 : i32
    %mul3A_32 = arith.muli %select_n3A_9, %mul3A_31 : i32
    "tpu.region"() ({
      %run_scoped3A = tpu.sem_alloc : memref<!tpu.dma_semaphore, #tpu.memory_space<semaphore_mem>>
      %dma_start3A_93 = arith.constant 0 : i32
      %dma_start3A_94 = tpu.memref_slice %arg4[%mul3A_32, %dma_start3A_93] : memref<512x128xf32, #tpu.memory_space<hbm>> -> memref<128x128xf32, #tpu.memory_space<hbm>>
      %dma_start3A_95 = arith.constant 0 : i32
      %dma_start3A_96 = tpu.memref_slice %arg4[%mul3A_32, %dma_start3A_95] : memref<512x128xf32, #tpu.memory_space<hbm>> -> memref<128x128xf32, #tpu.memory_space<hbm>>
      tpu.enqueue_dma source(%dma_start3A_96 : memref<128x128xf32, #tpu.memory_space<hbm>>) target(%arg6 : memref<128x128xf32, #tpu.memory_space<vmem>>) target_semaphore(%run_scoped3A : memref<!tpu.dma_semaphore, #tpu.memory_space<semaphore_mem>>)
      %dma_wait3A_97 = arith.constant 0 : i32
      %dma_wait3A_98 = tpu.memref_slice %arg4[%mul3A_32, %dma_wait3A_97] : memref<512x128xf32, #tpu.memory_space<hbm>> -> memref<128x128xf32, #tpu.memory_space<hbm>>
      %dma_wait3A_99 = arith.constant 0 : i32
      %dma_wait3A_100 = tpu.memref_slice %arg4[%mul3A_32, %dma_wait3A_99] : memref<512x128xf32, #tpu.memory_space<hbm>> -> memref<128x128xf32, #tpu.memory_space<hbm>>
      tpu.wait_dma2 semaphore(%run_scoped3A : memref<!tpu.dma_semaphore, #tpu.memory_space<semaphore_mem>>) src(%dma_wait3A_100 : memref<128x128xf32, #tpu.memory_space<hbm>>) dst(%arg6 : memref<128x128xf32, #tpu.memory_space<vmem>>)
      tpu.yield
    }) : () -> ()
    %mul3A_33 = arith.constant 128 : i32
    %mul3A_34 = arith.muli %select_n3A_30, %mul3A_33 : i32
    %mul3A_35 = arith.constant 128 : i32
    %mul3A_36 = arith.muli %select_n3A_9, %mul3A_35 : i32
    "tpu.region"() ({
      %run_scoped3A = tpu.sem_alloc : memref<!tpu.dma_semaphore, #tpu.memory_space<semaphore_mem>>
      %dma_start3A_93 = tpu.memref_slice %arg3[%mul3A_34, %mul3A_36] : memref<1024x512xi32, #tpu.memory_space<hbm>> -> memref<128x128xi32, #tpu.memory_space<hbm>>
      %dma_start3A_94 = tpu.memref_slice %arg3[%mul3A_34, %mul3A_36] : memref<1024x512xi32, #tpu.memory_space<hbm>> -> memref<128x128xi32, #tpu.memory_space<hbm>>
      tpu.enqueue_dma source(%dma_start3A_94 : memref<128x128xi32, #tpu.memory_space<hbm>>) target(%arg7 : memref<128x128xi32, #tpu.memory_space<vmem>>) target_semaphore(%run_scoped3A : memref<!tpu.dma_semaphore, #tpu.memory_space<semaphore_mem>>)
      %dma_wait3A_95 = tpu.memref_slice %arg3[%mul3A_34, %mul3A_36] : memref<1024x512xi32, #tpu.memory_space<hbm>> -> memref<128x128xi32, #tpu.memory_space<hbm>>
      %dma_wait3A_96 = tpu.memref_slice %arg3[%mul3A_34, %mul3A_36] : memref<1024x512xi32, #tpu.memory_space<hbm>> -> memref<128x128xi32, #tpu.memory_space<hbm>>
      tpu.wait_dma2 semaphore(%run_scoped3A : memref<!tpu.dma_semaphore, #tpu.memory_space<semaphore_mem>>) src(%dma_wait3A_96 : memref<128x128xi32, #tpu.memory_space<hbm>>) dst(%arg7 : memref<128x128xi32, #tpu.memory_space<vmem>>)
      tpu.yield
    }) : () -> ()
    %mul3A_37 = arith.constant 128 : i32
    %mul3A_38 = arith.muli %select_n3A_30, %mul3A_37 : i32
    %dma_start3A = arith.constant 0 : i32
    %dma_start3A_39 = arith.constant 0 : i32
    %dma_start3A_40 = tpu.memref_slice %arg7[%dma_start3A, %dma_start3A_39] : memref<128x128xi32, #tpu.memory_space<vmem>> -> memref<1x128xi32, #tpu.memory_space<vmem>>
    %dma_start3A_41 = tpu.memref_squeeze %dma_start3A_40 : memref<1x128xi32, #tpu.memory_space<vmem>> -> memref<128xi32, #tpu.memory_space<vmem>>
    %dma_start3A_42 = arith.constant 0 : i32
    %dma_start3A_43 = arith.constant 0 : i32
    %dma_start3A_44 = tpu.memref_slice %arg2[%dma_start3A_42, %dma_start3A_43] : memref<100000x128xf32, #tpu.memory_space<hbm>> -> memref<100000x128xf32, #tpu.memory_space<hbm>>
    tpu.enqueue_indirect_dma source(%dma_start3A_44 : memref<100000x128xf32, #tpu.memory_space<hbm>>) target(%arg8 : memref<128x128xf32, #tpu.memory_space<vmem>>) offsets(%dma_start3A_41 : memref<128xi32, #tpu.memory_space<vmem>>) semaphore(%arg13 : memref<!tpu.dma_semaphore, #tpu.memory_space<semaphore_mem>>)
    %dma_start3A_45 = arith.constant 1 : i32
    %dma_start3A_46 = arith.constant 0 : i32
    %dma_start3A_47 = tpu.memref_slice %arg7[%dma_start3A_45, %dma_start3A_46] : memref<128x128xi32, #tpu.memory_space<vmem>> -> memref<1x128xi32, #tpu.memory_space<vmem>>
    %dma_start3A_48 = tpu.memref_squeeze %dma_start3A_47 : memref<1x128xi32, #tpu.memory_space<vmem>> -> memref<128xi32, #tpu.memory_space<vmem>>
    %dma_start3A_49 = arith.constant 0 : i32
    %dma_start3A_50 = arith.constant 0 : i32
    %dma_start3A_51 = tpu.memref_slice %arg2[%dma_start3A_49, %dma_start3A_50] : memref<100000x128xf32, #tpu.memory_space<hbm>> -> memref<100000x128xf32, #tpu.memory_space<hbm>>
    tpu.enqueue_indirect_dma source(%dma_start3A_51 : memref<100000x128xf32, #tpu.memory_space<hbm>>) target(%arg9 : memref<128x128xf32, #tpu.memory_space<vmem>>) offsets(%dma_start3A_48 : memref<128xi32, #tpu.memory_space<vmem>>) semaphore(%arg14 : memref<!tpu.dma_semaphore, #tpu.memory_space<semaphore_mem>>)
    %dma_start3A_52 = arith.constant 2 : i32
    %dma_start3A_53 = arith.constant 0 : i32
    %dma_start3A_54 = tpu.memref_slice %arg7[%dma_start3A_52, %dma_start3A_53] : memref<128x128xi32, #tpu.memory_space<vmem>> -> memref<1x128xi32, #tpu.memory_space<vmem>>
    %dma_start3A_55 = tpu.memref_squeeze %dma_start3A_54 : memref<1x128xi32, #tpu.memory_space<vmem>> -> memref<128xi32, #tpu.memory_space<vmem>>
    %dma_start3A_56 = arith.constant 0 : i32
    %dma_start3A_57 = arith.constant 0 : i32
    %dma_start3A_58 = tpu.memref_slice %arg2[%dma_start3A_56, %dma_start3A_57] : memref<100000x128xf32, #tpu.memory_space<hbm>> -> memref<100000x128xf32, #tpu.memory_space<hbm>>
    tpu.enqueue_indirect_dma source(%dma_start3A_58 : memref<100000x128xf32, #tpu.memory_space<hbm>>) target(%arg10 : memref<128x128xf32, #tpu.memory_space<vmem>>) offsets(%dma_start3A_55 : memref<128xi32, #tpu.memory_space<vmem>>) semaphore(%arg15 : memref<!tpu.dma_semaphore, #tpu.memory_space<semaphore_mem>>)
    %scan3A = arith.constant 0 : i32
    %scan3A_59 = arith.constant 0 : i32
    %scan3A_60 = arith.constant 26 : i32
    %scan3A_61 = arith.addi %scan3A_59, %scan3A_60 : i32
    %scan3A_62 = arith.constant 1 : i32
    scf.for %scan3A_93 = %scan3A_59 to %scan3A_61 step %scan3A_62  : i32 {
      %mul3A_94 = arith.constant 5 : i32
      %mul3A_95 = arith.muli %scan3A_93, %mul3A_94 : i32
      %add3A_96 = arith.constant 0 : i32
      %add3A_97 = arith.addi %mul3A_95, %add3A_96 : i32
      %add3A_98 = arith.constant 3 : i32
      %add3A_99 = arith.addi %add3A_97, %add3A_98 : i32
      %lt3A_100 = arith.constant 128 : i32
      %lt3A_101 = arith.cmpi slt, %add3A_99, %lt3A_100 : i32
      %convert_element_type3A = arith.extui %lt3A_101 : i1 to i32
      %cond3A = arith.constant 0 : i32
      %cond3A_102 = arith.cmpi ne, %convert_element_type3A, %cond3A : i32
      scf.if %cond3A_102 {
        %ge3A = arith.constant 2 : i32
        %ge3A_172 = arith.cmpi sge, %add3A_97, %ge3A : i32
        %convert_element_type3A_173 = arith.extui %ge3A_172 : i1 to i32
        %cond3A_174 = arith.constant 0 : i32
        %cond3A_175 = arith.cmpi ne, %convert_element_type3A_173, %cond3A_174 : i32
        scf.if %cond3A_175 {
          %dma_wait3A_184 = arith.constant 0 : i32
          %dma_wait3A_185 = arith.constant 0 : i32
          %dma_wait3A_186 = tpu.memref_slice %arg5[%dma_wait3A_184, %dma_wait3A_185] : memref<524288x128xf32, #tpu.memory_space<hbm>> -> memref<128x128xf32, #tpu.memory_space<hbm>>
          %dma_wait3A_187 = arith.constant 0 : i32
          %dma_wait3A_188 = arith.constant 0 : i32
          %dma_wait3A_189 = tpu.memref_slice %arg5[%dma_wait3A_187, %dma_wait3A_188] : memref<524288x128xf32, #tpu.memory_space<hbm>> -> memref<128x128xf32, #tpu.memory_space<hbm>>
          tpu.wait_dma2 semaphore(%arg21 : memref<!tpu.dma_semaphore, #tpu.memory_space<semaphore_mem>>) src(%arg11 : memref<128x128xf32, #tpu.memory_space<vmem>>) dst(%dma_wait3A_189 : memref<128x128xf32, #tpu.memory_space<hbm>>)
        } else {
        }
        %add3A_176 = arith.constant 3 : i32
        %add3A_177 = arith.addi %add3A_97, %add3A_176 : i32
        %dma_start3A_178 = arith.constant 0 : i32
        %dma_start3A_179 = tpu.memref_slice %arg7[%add3A_177, %dma_start3A_178] : memref<128x128xi32, #tpu.memory_space<vmem>> -> memref<1x128xi32, #tpu.memory_space<vmem>>
        %dma_start3A_180 = tpu.memref_squeeze %dma_start3A_179 : memref<1x128xi32, #tpu.memory_space<vmem>> -> memref<128xi32, #tpu.memory_space<vmem>>
        %dma_start3A_181 = arith.constant 0 : i32
        %dma_start3A_182 = arith.constant 0 : i32
        %dma_start3A_183 = tpu.memref_slice %arg2[%dma_start3A_181, %dma_start3A_182] : memref<100000x128xf32, #tpu.memory_space<hbm>> -> memref<100000x128xf32, #tpu.memory_space<hbm>>
        tpu.enqueue_indirect_dma source(%dma_start3A_183 : memref<100000x128xf32, #tpu.memory_space<hbm>>) target(%arg11 : memref<128x128xf32, #tpu.memory_space<vmem>>) offsets(%dma_start3A_180 : memref<128xi32, #tpu.memory_space<vmem>>) semaphore(%arg16 : memref<!tpu.dma_semaphore, #tpu.memory_space<semaphore_mem>>)
      } else {
      }
      %lt3A_103 = arith.constant 128 : i32
      %lt3A_104 = arith.cmpi slt, %add3A_97, %lt3A_103 : i32
      %convert_element_type3A_105 = arith.extui %lt3A_104 : i1 to i32
      %cond3A_106 = arith.constant 0 : i32
      %cond3A_107 = arith.cmpi ne, %convert_element_type3A_105, %cond3A_106 : i32
      scf.if %cond3A_107 {
        %dma_wait3A_172 = arith.constant 0 : i32
        %dma_wait3A_173 = arith.constant 0 : i32
        %dma_wait3A_174 = tpu.memref_slice %arg7[%dma_wait3A_172, %dma_wait3A_173] : memref<128x128xi32, #tpu.memory_space<vmem>> -> memref<1x128xi32, #tpu.memory_space<vmem>>
        %dma_wait3A_175 = tpu.memref_squeeze %dma_wait3A_174 : memref<1x128xi32, #tpu.memory_space<vmem>> -> memref<128xi32, #tpu.memory_space<vmem>>
        %dma_wait3A_176 = arith.constant 0 : i32
        %dma_wait3A_177 = arith.constant 0 : i32
        %dma_wait3A_178 = tpu.memref_slice %arg2[%dma_wait3A_176, %dma_wait3A_177] : memref<100000x128xf32, #tpu.memory_space<hbm>> -> memref<100000x128xf32, #tpu.memory_space<hbm>>
        tpu.wait_indirect_dma semaphore(%arg13 : memref<!tpu.dma_semaphore, #tpu.memory_space<semaphore_mem>>) src(%dma_wait3A_178 : memref<100000x128xf32, #tpu.memory_space<hbm>>) dst(%arg8 : memref<128x128xf32, #tpu.memory_space<vmem>>)
        %parallel_loop3A = arith.constant 0 : i32
        %parallel_loop3A_179 = arith.constant 128 : i32
        %parallel_loop3A_180 = arith.constant 1 : i32
        scf.for %parallel_loop3A_191 = %parallel_loop3A to %parallel_loop3A_179 step %parallel_loop3A_180  : i32 {
          %parallel_loop3A_192 = arith.index_cast %parallel_loop3A_191 : i32 to index
          %parallel_loop3A_193 = arith.constant 0 : index
          %parallel_loop3A_194 = tpu.vector_load %arg6[%parallel_loop3A_192, %parallel_loop3A_193] {strides = array<i32>} : memref<128x128xf32, #tpu.memory_space<vmem>>, vector<1x16xf32>,
          %parallel_loop3A_195 = vector.shape_cast %parallel_loop3A_194 : vector<1x16xf32> to vector<16xf32>
          %parallel_loop3A_196 = arith.index_cast %parallel_loop3A_191 : i32 to index
          %parallel_loop3A_197 = arith.constant 0 : index
          %parallel_loop3A_198 = tpu.vector_load %arg8[%parallel_loop3A_196, %parallel_loop3A_197] {strides = array<i32>} : memref<128x128xf32, #tpu.memory_space<vmem>>, vector<1x16xf32>,
          %parallel_loop3A_199 = vector.shape_cast %parallel_loop3A_198 : vector<1x16xf32> to vector<16xf32>
          %parallel_loop3A_200 = vector.shape_cast %parallel_loop3A_195 : vector<16xf32> to vector<1x16xf32>
          tpu.vector_store %arg8[%parallel_loop3A_196, %parallel_loop3A_197], %parallel_loop3A_200 {add = true, strides = array<i32>} : memref<128x128xf32, #tpu.memory_space<vmem>>, vector<1x16xf32>,
          %parallel_loop3A_201 = arith.index_cast %parallel_loop3A_191 : i32 to index
          %parallel_loop3A_202 = arith.constant 16 : index
          %parallel_loop3A_203 = tpu.vector_load %arg6[%parallel_loop3A_201, %parallel_loop3A_202] {strides = array<i32>} : memref<128x128xf32, #tpu.memory_space<vmem>>, vector<1x16xf32>,
          %parallel_loop3A_204 = vector.shape_cast %parallel_loop3A_203 : vector<1x16xf32> to vector<16xf32>
          %parallel_loop3A_205 = arith.index_cast %parallel_loop3A_191 : i32 to index
          %parallel_loop3A_206 = arith.constant 16 : index
          %parallel_loop3A_207 = tpu.vector_load %arg8[%parallel_loop3A_205, %parallel_loop3A_206] {strides = array<i32>} : memref<128x128xf32, #tpu.memory_space<vmem>>, vector<1x16xf32>,
          %parallel_loop3A_208 = vector.shape_cast %parallel_loop3A_207 : vector<1x16xf32> to vector<16xf32>
          %parallel_loop3A_209 = vector.shape_cast %parallel_loop3A_204 : vector<16xf32> to vector<1x16xf32>
          tpu.vector_store %arg8[%parallel_loop3A_205, %parallel_loop3A_206], %parallel_loop3A_209 {add = true, strides = array<i32>} : memref<128x128xf32, #tpu.memory_space<vmem>>, vector<1x16xf32>,
          %parallel_loop3A_210 = arith.index_cast %parallel_loop3A_191 : i32 to index
          %parallel_loop3A_211 = arith.constant 32 : index
          %parallel_loop3A_212 = tpu.vector_load %arg6[%parallel_loop3A_210, %parallel_loop3A_211] {strides = array<i32>} : memref<128x128xf32, #tpu.memory_space<vmem>>, vector<1x16xf32>,
          %parallel_loop3A_213 = vector.shape_cast %parallel_loop3A_212 : vector<1x16xf32> to vector<16xf32>
          %parallel_loop3A_214 = arith.index_cast %parallel_loop3A_191 : i32 to index
          %parallel_loop3A_215 = arith.constant 32 : index
          %parallel_loop3A_216 = tpu.vector_load %arg8[%parallel_loop3A_214, %parallel_loop3A_215] {strides = array<i32>} : memref<128x128xf32, #tpu.memory_space<vmem>>, vector<1x16xf32>,
          %parallel_loop3A_217 = vector.shape_cast %parallel_loop3A_216 : vector<1x16xf32> to vector<16xf32>
          %parallel_loop3A_218 = vector.shape_cast %parallel_loop3A_213 : vector<16xf32> to vector<1x16xf32>
          tpu.vector_store %arg8[%parallel_loop3A_214, %parallel_loop3A_215], %parallel_loop3A_218 {add = true, strides = array<i32>} : memref<128x128xf32, #tpu.memory_space<vmem>>, vector<1x16xf32>,
          %parallel_loop3A_219 = arith.index_cast %parallel_loop3A_191 : i32 to index
          %parallel_loop3A_220 = arith.constant 48 : index
          %parallel_loop3A_221 = tpu.vector_load %arg6[%parallel_loop3A_219, %parallel_loop3A_220] {strides = array<i32>} : memref<128x128xf32, #tpu.memory_space<vmem>>, vector<1x16xf32>,
          %parallel_loop3A_222 = vector.shape_cast %parallel_loop3A_221 : vector<1x16xf32> to vector<16xf32>
          %parallel_loop3A_223 = arith.index_cast %parallel_loop3A_191 : i32 to index
          %parallel_loop3A_224 = arith.constant 48 : index
          %parallel_loop3A_225 = tpu.vector_load %arg8[%parallel_loop3A_223, %parallel_loop3A_224] {strides = array<i32>} : memref<128x128xf32, #tpu.memory_space<vmem>>, vector<1x16xf32>,
          %parallel_loop3A_226 = vector.shape_cast %parallel_loop3A_225 : vector<1x16xf32> to vector<16xf32>
          %parallel_loop3A_227 = vector.shape_cast %parallel_loop3A_222 : vector<16xf32> to vector<1x16xf32>
          tpu.vector_store %arg8[%parallel_loop3A_223, %parallel_loop3A_224], %parallel_loop3A_227 {add = true, strides = array<i32>} : memref<128x128xf32, #tpu.memory_space<vmem>>, vector<1x16xf32>,
          %parallel_loop3A_228 = arith.index_cast %parallel_loop3A_191 : i32 to index
          %parallel_loop3A_229 = arith.constant 64 : index
          %parallel_loop3A_230 = tpu.vector_load %arg6[%parallel_loop3A_228, %parallel_loop3A_229] {strides = array<i32>} : memref<128x128xf32, #tpu.memory_space<vmem>>, vector<1x16xf32>,
          %parallel_loop3A_231 = vector.shape_cast %parallel_loop3A_230 : vector<1x16xf32> to vector<16xf32>
          %parallel_loop3A_232 = arith.index_cast %parallel_loop3A_191 : i32 to index
          %parallel_loop3A_233 = arith.constant 64 : index
          %parallel_loop3A_234 = tpu.vector_load %arg8[%parallel_loop3A_232, %parallel_loop3A_233] {strides = array<i32>} : memref<128x128xf32, #tpu.memory_space<vmem>>, vector<1x16xf32>,
          %parallel_loop3A_235 = vector.shape_cast %parallel_loop3A_234 : vector<1x16xf32> to vector<16xf32>
          %parallel_loop3A_236 = vector.shape_cast %parallel_loop3A_231 : vector<16xf32> to vector<1x16xf32>
          tpu.vector_store %arg8[%parallel_loop3A_232, %parallel_loop3A_233], %parallel_loop3A_236 {add = true, strides = array<i32>} : memref<128x128xf32, #tpu.memory_space<vmem>>, vector<1x16xf32>,
          %parallel_loop3A_237 = arith.index_cast %parallel_loop3A_191 : i32 to index
          %parallel_loop3A_238 = arith.constant 80 : index
          %parallel_loop3A_239 = tpu.vector_load %arg6[%parallel_loop3A_237, %parallel_loop3A_238] {strides = array<i32>} : memref<128x128xf32, #tpu.memory_space<vmem>>, vector<1x16xf32>,
          %parallel_loop3A_240 = vector.shape_cast %parallel_loop3A_239 : vector<1x16xf32> to vector<16xf32>
          %parallel_loop3A_241 = arith.index_cast %parallel_loop3A_191 : i32 to index
          %parallel_loop3A_242 = arith.constant 80 : index
          %parallel_loop3A_243 = tpu.vector_load %arg8[%parallel_loop3A_241, %parallel_loop3A_242] {strides = array<i32>} : memref<128x128xf32, #tpu.memory_space<vmem>>, vector<1x16xf32>,
          %parallel_loop3A_244 = vector.shape_cast %parallel_loop3A_243 : vector<1x16xf32> to vector<16xf32>
          %parallel_loop3A_245 = vector.shape_cast %parallel_loop3A_240 : vector<16xf32> to vector<1x16xf32>
          tpu.vector_store %arg8[%parallel_loop3A_241, %parallel_loop3A_242], %parallel_loop3A_245 {add = true, strides = array<i32>} : memref<128x128xf32, #tpu.memory_space<vmem>>, vector<1x16xf32>,
          %parallel_loop3A_246 = arith.index_cast %parallel_loop3A_191 : i32 to index
          %parallel_loop3A_247 = arith.constant 96 : index
          %parallel_loop3A_248 = tpu.vector_load %arg6[%parallel_loop3A_246, %parallel_loop3A_247] {strides = array<i32>} : memref<128x128xf32, #tpu.memory_space<vmem>>, vector<1x16xf32>,
          %parallel_loop3A_249 = vector.shape_cast %parallel_loop3A_248 : vector<1x16xf32> to vector<16xf32>
          %parallel_loop3A_250 = arith.index_cast %parallel_loop3A_191 : i32 to index
          %parallel_loop3A_251 = arith.constant 96 : index
          %parallel_loop3A_252 = tpu.vector_load %arg8[%parallel_loop3A_250, %parallel_loop3A_251] {strides = array<i32>} : memref<128x128xf32, #tpu.memory_space<vmem>>, vector<1x16xf32>,
          %parallel_loop3A_253 = vector.shape_cast %parallel_loop3A_252 : vector<1x16xf32> to vector<16xf32>
          %parallel_loop3A_254 = vector.shape_cast %parallel_loop3A_249 : vector<16xf32> to vector<1x16xf32>
          tpu.vector_store %arg8[%parallel_loop3A_250, %parallel_loop3A_251], %parallel_loop3A_254 {add = true, strides = array<i32>} : memref<128x128xf32, #tpu.memory_space<vmem>>, vector<1x16xf32>,
          %parallel_loop3A_255 = arith.index_cast %parallel_loop3A_191 : i32 to index
          %parallel_loop3A_256 = arith.constant 112 : index
          %parallel_loop3A_257 = tpu.vector_load %arg6[%parallel_loop3A_255, %parallel_loop3A_256] {strides = array<i32>} : memref<128x128xf32, #tpu.memory_space<vmem>>, vector<1x16xf32>,
          %parallel_loop3A_258 = vector.shape_cast %parallel_loop3A_257 : vector<1x16xf32> to vector<16xf32>
          %parallel_loop3A_259 = arith.index_cast %parallel_loop3A_191 : i32 to index
          %parallel_loop3A_260 = arith.constant 112 : index
          %parallel_loop3A_261 = tpu.vector_load %arg8[%parallel_loop3A_259, %parallel_loop3A_260] {strides = array<i32>} : memref<128x128xf32, #tpu.memory_space<vmem>>, vector<1x16xf32>,
          %parallel_loop3A_262 = vector.shape_cast %parallel_loop3A_261 : vector<1x16xf32> to vector<16xf32>
          %parallel_loop3A_263 = vector.shape_cast %parallel_loop3A_258 : vector<16xf32> to vector<1x16xf32>
          tpu.vector_store %arg8[%parallel_loop3A_259, %parallel_loop3A_260], %parallel_loop3A_263 {add = true, strides = array<i32>} : memref<128x128xf32, #tpu.memory_space<vmem>>, vector<1x16xf32>,
        } {sc.loop_unroll_factor = 4 : i64, sc.parallel_access}
        %add3A_181 = arith.addi %mul3A_38, %add3A_97 : i32
        %mul3A_182 = arith.constant 512 : i32
        %mul3A_183 = arith.muli %add3A_181, %mul3A_182 : i32
        %mul3A_184 = arith.constant 128 : i32
        %mul3A_185 = arith.muli %select_n3A_9, %mul3A_184 : i32
        %add3A_186 = arith.addi %mul3A_183, %mul3A_185 : i32
        %dma_start3A_187 = arith.constant 0 : i32
        %dma_start3A_188 = tpu.memref_slice %arg5[%add3A_186, %dma_start3A_187] : memref<524288x128xf32, #tpu.memory_space<hbm>> -> memref<128x128xf32, #tpu.memory_space<hbm>>
        %dma_start3A_189 = arith.constant 0 : i32
        %dma_start3A_190 = tpu.memref_slice %arg5[%add3A_186, %dma_start3A_189] : memref<524288x128xf32, #tpu.memory_space<hbm>> -> memref<128x128xf32, #tpu.memory_space<hbm>>
        tpu.enqueue_dma source(%arg8 : memref<128x128xf32, #tpu.memory_space<vmem>>) target(%dma_start3A_190 : memref<128x128xf32, #tpu.memory_space<hbm>>) target_semaphore(%arg18 : memref<!tpu.dma_semaphore, #tpu.memory_space<semaphore_mem>>)
      } else {
      }
      %mul3A_108 = arith.constant 5 : i32
      %mul3A_109 = arith.muli %scan3A_93, %mul3A_108 : i32
      %add3A_110 = arith.constant 1 : i32
      %add3A_111 = arith.addi %mul3A_109, %add3A_110 : i32
      %add3A_112 = arith.constant 3 : i32
      %add3A_113 = arith.addi %add3A_111, %add3A_112 : i32
      %lt3A_114 = arith.constant 128 : i32
      %lt3A_115 = arith.cmpi slt, %add3A_113, %lt3A_114 : i32
      %convert_element_type3A_116 = arith.extui %lt3A_115 : i1 to i32
      %cond3A_117 = arith.constant 0 : i32
      %cond3A_118 = arith.cmpi ne, %convert_element_type3A_116, %cond3A_117 : i32
      scf.if %cond3A_118 {
        %ge3A = arith.constant 2 : i32
        %ge3A_172 = arith.cmpi sge, %add3A_111, %ge3A : i32
        %convert_element_type3A_173 = arith.extui %ge3A_172 : i1 to i32
        %cond3A_174 = arith.constant 0 : i32
        %cond3A_175 = arith.cmpi ne, %convert_element_type3A_173, %cond3A_174 : i32
        scf.if %cond3A_175 {
          %dma_wait3A_184 = arith.constant 0 : i32
          %dma_wait3A_185 = arith.constant 0 : i32
          %dma_wait3A_186 = tpu.memref_slice %arg5[%dma_wait3A_184, %dma_wait3A_185] : memref<524288x128xf32, #tpu.memory_space<hbm>> -> memref<128x128xf32, #tpu.memory_space<hbm>>
          %dma_wait3A_187 = arith.constant 0 : i32
          %dma_wait3A_188 = arith.constant 0 : i32
          %dma_wait3A_189 = tpu.memref_slice %arg5[%dma_wait3A_187, %dma_wait3A_188] : memref<524288x128xf32, #tpu.memory_space<hbm>> -> memref<128x128xf32, #tpu.memory_space<hbm>>
          tpu.wait_dma2 semaphore(%arg22 : memref<!tpu.dma_semaphore, #tpu.memory_space<semaphore_mem>>) src(%arg12 : memref<128x128xf32, #tpu.memory_space<vmem>>) dst(%dma_wait3A_189 : memref<128x128xf32, #tpu.memory_space<hbm>>)
        } else {
        }
        %add3A_176 = arith.constant 3 : i32
        %add3A_177 = arith.addi %add3A_111, %add3A_176 : i32
        %dma_start3A_178 = arith.constant 0 : i32
        %dma_start3A_179 = tpu.memref_slice %arg7[%add3A_177, %dma_start3A_178] : memref<128x128xi32, #tpu.memory_space<vmem>> -> memref<1x128xi32, #tpu.memory_space<vmem>>
        %dma_start3A_180 = tpu.memref_squeeze %dma_start3A_179 : memref<1x128xi32, #tpu.memory_space<vmem>> -> memref<128xi32, #tpu.memory_space<vmem>>
        %dma_start3A_181 = arith.constant 0 : i32
        %dma_start3A_182 = arith.constant 0 : i32
        %dma_start3A_183 = tpu.memref_slice %arg2[%dma_start3A_181, %dma_start3A_182] : memref<100000x128xf32, #tpu.memory_space<hbm>> -> memref<100000x128xf32, #tpu.memory_space<hbm>>
        tpu.enqueue_indirect_dma source(%dma_start3A_183 : memref<100000x128xf32, #tpu.memory_space<hbm>>) target(%arg12 : memref<128x128xf32, #tpu.memory_space<vmem>>) offsets(%dma_start3A_180 : memref<128xi32, #tpu.memory_space<vmem>>) semaphore(%arg17 : memref<!tpu.dma_semaphore, #tpu.memory_space<semaphore_mem>>)
      } else {
      }
      %lt3A_119 = arith.constant 128 : i32
      %lt3A_120 = arith.cmpi slt, %add3A_111, %lt3A_119 : i32
      %convert_element_type3A_121 = arith.extui %lt3A_120 : i1 to i32
      %cond3A_122 = arith.constant 0 : i32
      %cond3A_123 = arith.cmpi ne, %convert_element_type3A_121, %cond3A_122 : i32
      scf.if %cond3A_123 {
        %dma_wait3A_172 = arith.constant 0 : i32
        %dma_wait3A_173 = arith.constant 0 : i32
        %dma_wait3A_174 = tpu.memref_slice %arg7[%dma_wait3A_172, %dma_wait3A_173] : memref<128x128xi32, #tpu.memory_space<vmem>> -> memref<1x128xi32, #tpu.memory_space<vmem>>
        %dma_wait3A_175 = tpu.memref_squeeze %dma_wait3A_174 : memref<1x128xi32, #tpu.memory_space<vmem>> -> memref<128xi32, #tpu.memory_space<vmem>>
        %dma_wait3A_176 = arith.constant 0 : i32
        %dma_wait3A_177 = arith.constant 0 : i32
        %dma_wait3A_178 = tpu.memref_slice %arg2[%dma_wait3A_176, %dma_wait3A_177] : memref<100000x128xf32, #tpu.memory_space<hbm>> -> memref<100000x128xf32, #tpu.memory_space<hbm>>
        tpu.wait_indirect_dma semaphore(%arg14 : memref<!tpu.dma_semaphore, #tpu.memory_space<semaphore_mem>>) src(%dma_wait3A_178 : memref<100000x128xf32, #tpu.memory_space<hbm>>) dst(%arg9 : memref<128x128xf32, #tpu.memory_space<vmem>>)
        %parallel_loop3A = arith.constant 0 : i32
        %parallel_loop3A_179 = arith.constant 128 : i32
        %parallel_loop3A_180 = arith.constant 1 : i32
        scf.for %parallel_loop3A_191 = %parallel_loop3A to %parallel_loop3A_179 step %parallel_loop3A_180  : i32 {
          %parallel_loop3A_192 = arith.index_cast %parallel_loop3A_191 : i32 to index
          %parallel_loop3A_193 = arith.constant 0 : index
          %parallel_loop3A_194 = tpu.vector_load %arg6[%parallel_loop3A_192, %parallel_loop3A_193] {strides = array<i32>} : memref<128x128xf32, #tpu.memory_space<vmem>>, vector<1x16xf32>,
          %parallel_loop3A_195 = vector.shape_cast %parallel_loop3A_194 : vector<1x16xf32> to vector<16xf32>
          %parallel_loop3A_196 = arith.index_cast %parallel_loop3A_191 : i32 to index
          %parallel_loop3A_197 = arith.constant 0 : index
          %parallel_loop3A_198 = tpu.vector_load %arg9[%parallel_loop3A_196, %parallel_loop3A_197] {strides = array<i32>} : memref<128x128xf32, #tpu.memory_space<vmem>>, vector<1x16xf32>,
          %parallel_loop3A_199 = vector.shape_cast %parallel_loop3A_198 : vector<1x16xf32> to vector<16xf32>
          %parallel_loop3A_200 = vector.shape_cast %parallel_loop3A_195 : vector<16xf32> to vector<1x16xf32>
          tpu.vector_store %arg9[%parallel_loop3A_196, %parallel_loop3A_197], %parallel_loop3A_200 {add = true, strides = array<i32>} : memref<128x128xf32, #tpu.memory_space<vmem>>, vector<1x16xf32>,
          %parallel_loop3A_201 = arith.index_cast %parallel_loop3A_191 : i32 to index
          %parallel_loop3A_202 = arith.constant 16 : index
          %parallel_loop3A_203 = tpu.vector_load %arg6[%parallel_loop3A_201, %parallel_loop3A_202] {strides = array<i32>} : memref<128x128xf32, #tpu.memory_space<vmem>>, vector<1x16xf32>,
          %parallel_loop3A_204 = vector.shape_cast %parallel_loop3A_203 : vector<1x16xf32> to vector<16xf32>
          %parallel_loop3A_205 = arith.index_cast %parallel_loop3A_191 : i32 to index
          %parallel_loop3A_206 = arith.constant 16 : index
          %parallel_loop3A_207 = tpu.vector_load %arg9[%parallel_loop3A_205, %parallel_loop3A_206] {strides = array<i32>} : memref<128x128xf32, #tpu.memory_space<vmem>>, vector<1x16xf32>,
          %parallel_loop3A_208 = vector.shape_cast %parallel_loop3A_207 : vector<1x16xf32> to vector<16xf32>
          %parallel_loop3A_209 = vector.shape_cast %parallel_loop3A_204 : vector<16xf32> to vector<1x16xf32>
          tpu.vector_store %arg9[%parallel_loop3A_205, %parallel_loop3A_206], %parallel_loop3A_209 {add = true, strides = array<i32>} : memref<128x128xf32, #tpu.memory_space<vmem>>, vector<1x16xf32>,
          %parallel_loop3A_210 = arith.index_cast %parallel_loop3A_191 : i32 to index
          %parallel_loop3A_211 = arith.constant 32 : index
          %parallel_loop3A_212 = tpu.vector_load %arg6[%parallel_loop3A_210, %parallel_loop3A_211] {strides = array<i32>} : memref<128x128xf32, #tpu.memory_space<vmem>>, vector<1x16xf32>,
          %parallel_loop3A_213 = vector.shape_cast %parallel_loop3A_212 : vector<1x16xf32> to vector<16xf32>
          %parallel_loop3A_214 = arith.index_cast %parallel_loop3A_191 : i32 to index
          %parallel_loop3A_215 = arith.constant 32 : index
          %parallel_loop3A_216 = tpu.vector_load %arg9[%parallel_loop3A_214, %parallel_loop3A_215] {strides = array<i32>} : memref<128x128xf32, #tpu.memory_space<vmem>>, vector<1x16xf32>,
          %parallel_loop3A_217 = vector.shape_cast %parallel_loop3A_216 : vector<1x16xf32> to vector<16xf32>
          %parallel_loop3A_218 = vector.shape_cast %parallel_loop3A_213 : vector<16xf32> to vector<1x16xf32>
          tpu.vector_store %arg9[%parallel_loop3A_214, %parallel_loop3A_215], %parallel_loop3A_218 {add = true, strides = array<i32>} : memref<128x128xf32, #tpu.memory_space<vmem>>, vector<1x16xf32>,
          %parallel_loop3A_219 = arith.index_cast %parallel_loop3A_191 : i32 to index
          %parallel_loop3A_220 = arith.constant 48 : index
          %parallel_loop3A_221 = tpu.vector_load %arg6[%parallel_loop3A_219, %parallel_loop3A_220] {strides = array<i32>} : memref<128x128xf32, #tpu.memory_space<vmem>>, vector<1x16xf32>,
          %parallel_loop3A_222 = vector.shape_cast %parallel_loop3A_221 : vector<1x16xf32> to vector<16xf32>
          %parallel_loop3A_223 = arith.index_cast %parallel_loop3A_191 : i32 to index
          %parallel_loop3A_224 = arith.constant 48 : index
          %parallel_loop3A_225 = tpu.vector_load %arg9[%parallel_loop3A_223, %parallel_loop3A_224] {strides = array<i32>} : memref<128x128xf32, #tpu.memory_space<vmem>>, vector<1x16xf32>,
          %parallel_loop3A_226 = vector.shape_cast %parallel_loop3A_225 : vector<1x16xf32> to vector<16xf32>
          %parallel_loop3A_227 = vector.shape_cast %parallel_loop3A_222 : vector<16xf32> to vector<1x16xf32>
          tpu.vector_store %arg9[%parallel_loop3A_223, %parallel_loop3A_224], %parallel_loop3A_227 {add = true, strides = array<i32>} : memref<128x128xf32, #tpu.memory_space<vmem>>, vector<1x16xf32>,
          %parallel_loop3A_228 = arith.index_cast %parallel_loop3A_191 : i32 to index
          %parallel_loop3A_229 = arith.constant 64 : index
          %parallel_loop3A_230 = tpu.vector_load %arg6[%parallel_loop3A_228, %parallel_loop3A_229] {strides = array<i32>} : memref<128x128xf32, #tpu.memory_space<vmem>>, vector<1x16xf32>,
          %parallel_loop3A_231 = vector.shape_cast %parallel_loop3A_230 : vector<1x16xf32> to vector<16xf32>
          %parallel_loop3A_232 = arith.index_cast %parallel_loop3A_191 : i32 to index
          %parallel_loop3A_233 = arith.constant 64 : index
          %parallel_loop3A_234 = tpu.vector_load %arg9[%parallel_loop3A_232, %parallel_loop3A_233] {strides = array<i32>} : memref<128x128xf32, #tpu.memory_space<vmem>>, vector<1x16xf32>,
          %parallel_loop3A_235 = vector.shape_cast %parallel_loop3A_234 : vector<1x16xf32> to vector<16xf32>
          %parallel_loop3A_236 = vector.shape_cast %parallel_loop3A_231 : vector<16xf32> to vector<1x16xf32>
          tpu.vector_store %arg9[%parallel_loop3A_232, %parallel_loop3A_233], %parallel_loop3A_236 {add = true, strides = array<i32>} : memref<128x128xf32, #tpu.memory_space<vmem>>, vector<1x16xf32>,
          %parallel_loop3A_237 = arith.index_cast %parallel_loop3A_191 : i32 to index
          %parallel_loop3A_238 = arith.constant 80 : index
          %parallel_loop3A_239 = tpu.vector_load %arg6[%parallel_loop3A_237, %parallel_loop3A_238] {strides = array<i32>} : memref<128x128xf32, #tpu.memory_space<vmem>>, vector<1x16xf32>,
          %parallel_loop3A_240 = vector.shape_cast %parallel_loop3A_239 : vector<1x16xf32> to vector<16xf32>
          %parallel_loop3A_241 = arith.index_cast %parallel_loop3A_191 : i32 to index
          %parallel_loop3A_242 = arith.constant 80 : index
          %parallel_loop3A_243 = tpu.vector_load %arg9[%parallel_loop3A_241, %parallel_loop3A_242] {strides = array<i32>} : memref<128x128xf32, #tpu.memory_space<vmem>>, vector<1x16xf32>,
          %parallel_loop3A_244 = vector.shape_cast %parallel_loop3A_243 : vector<1x16xf32> to vector<16xf32>
          %parallel_loop3A_245 = vector.shape_cast %parallel_loop3A_240 : vector<16xf32> to vector<1x16xf32>
          tpu.vector_store %arg9[%parallel_loop3A_241, %parallel_loop3A_242], %parallel_loop3A_245 {add = true, strides = array<i32>} : memref<128x128xf32, #tpu.memory_space<vmem>>, vector<1x16xf32>,
          %parallel_loop3A_246 = arith.index_cast %parallel_loop3A_191 : i32 to index
          %parallel_loop3A_247 = arith.constant 96 : index
          %parallel_loop3A_248 = tpu.vector_load %arg6[%parallel_loop3A_246, %parallel_loop3A_247] {strides = array<i32>} : memref<128x128xf32, #tpu.memory_space<vmem>>, vector<1x16xf32>,
          %parallel_loop3A_249 = vector.shape_cast %parallel_loop3A_248 : vector<1x16xf32> to vector<16xf32>
          %parallel_loop3A_250 = arith.index_cast %parallel_loop3A_191 : i32 to index
          %parallel_loop3A_251 = arith.constant 96 : index
          %parallel_loop3A_252 = tpu.vector_load %arg9[%parallel_loop3A_250, %parallel_loop3A_251] {strides = array<i32>} : memref<128x128xf32, #tpu.memory_space<vmem>>, vector<1x16xf32>,
          %parallel_loop3A_253 = vector.shape_cast %parallel_loop3A_252 : vector<1x16xf32> to vector<16xf32>
          %parallel_loop3A_254 = vector.shape_cast %parallel_loop3A_249 : vector<16xf32> to vector<1x16xf32>
          tpu.vector_store %arg9[%parallel_loop3A_250, %parallel_loop3A_251], %parallel_loop3A_254 {add = true, strides = array<i32>} : memref<128x128xf32, #tpu.memory_space<vmem>>, vector<1x16xf32>,
          %parallel_loop3A_255 = arith.index_cast %parallel_loop3A_191 : i32 to index
          %parallel_loop3A_256 = arith.constant 112 : index
          %parallel_loop3A_257 = tpu.vector_load %arg6[%parallel_loop3A_255, %parallel_loop3A_256] {strides = array<i32>} : memref<128x128xf32, #tpu.memory_space<vmem>>, vector<1x16xf32>,
          %parallel_loop3A_258 = vector.shape_cast %parallel_loop3A_257 : vector<1x16xf32> to vector<16xf32>
          %parallel_loop3A_259 = arith.index_cast %parallel_loop3A_191 : i32 to index
          %parallel_loop3A_260 = arith.constant 112 : index
          %parallel_loop3A_261 = tpu.vector_load %arg9[%parallel_loop3A_259, %parallel_loop3A_260] {strides = array<i32>} : memref<128x128xf32, #tpu.memory_space<vmem>>, vector<1x16xf32>,
          %parallel_loop3A_262 = vector.shape_cast %parallel_loop3A_261 : vector<1x16xf32> to vector<16xf32>
          %parallel_loop3A_263 = vector.shape_cast %parallel_loop3A_258 : vector<16xf32> to vector<1x16xf32>
          tpu.vector_store %arg9[%parallel_loop3A_259, %parallel_loop3A_260], %parallel_loop3A_263 {add = true, strides = array<i32>} : memref<128x128xf32, #tpu.memory_space<vmem>>, vector<1x16xf32>,
        } {sc.loop_unroll_factor = 4 : i64, sc.parallel_access}
        %add3A_181 = arith.addi %mul3A_38, %add3A_111 : i32
        %mul3A_182 = arith.constant 512 : i32
        %mul3A_183 = arith.muli %add3A_181, %mul3A_182 : i32
        %mul3A_184 = arith.constant 128 : i32
        %mul3A_185 = arith.muli %select_n3A_9, %mul3A_184 : i32
        %add3A_186 = arith.addi %mul3A_183, %mul3A_185 : i32
        %dma_start3A_187 = arith.constant 0 : i32
        %dma_start3A_188 = tpu.memref_slice %arg5[%add3A_186, %dma_start3A_187] : memref<524288x128xf32, #tpu.memory_space<hbm>> -> memref<128x128xf32, #tpu.memory_space<hbm>>
        %dma_start3A_189 = arith.constant 0 : i32
        %dma_start3A_190 = tpu.memref_slice %arg5[%add3A_186, %dma_start3A_189] : memref<524288x128xf32, #tpu.memory_space<hbm>> -> memref<128x128xf32, #tpu.memory_space<hbm>>
        tpu.enqueue_dma source(%arg9 : memref<128x128xf32, #tpu.memory_space<vmem>>) target(%dma_start3A_190 : memref<128x128xf32, #tpu.memory_space<hbm>>) target_semaphore(%arg19 : memref<!tpu.dma_semaphore, #tpu.memory_space<semaphore_mem>>)
      } else {
      }
      %mul3A_124 = arith.constant 5 : i32
      %mul3A_125 = arith.muli %scan3A_93, %mul3A_124 : i32
      %add3A_126 = arith.constant 2 : i32
      %add3A_127 = arith.addi %mul3A_125, %add3A_126 : i32
      %add3A_128 = arith.constant 3 : i32
      %add3A_129 = arith.addi %add3A_127, %add3A_128 : i32
      %lt3A_130 = arith.constant 128 : i32
      %lt3A_131 = arith.cmpi slt, %add3A_129, %lt3A_130 : i32
      %convert_element_type3A_132 = arith.extui %lt3A_131 : i1 to i32
      %cond3A_133 = arith.constant 0 : i32
      %cond3A_134 = arith.cmpi ne, %convert_element_type3A_132, %cond3A_133 : i32
      scf.if %cond3A_134 {
        %ge3A = arith.constant 2 : i32
        %ge3A_172 = arith.cmpi sge, %add3A_127, %ge3A : i32
        %convert_element_type3A_173 = arith.extui %ge3A_172 : i1 to i32
        %cond3A_174 = arith.constant 0 : i32
        %cond3A_175 = arith.cmpi ne, %convert_element_type3A_173, %cond3A_174 : i32
        scf.if %cond3A_175 {
          %dma_wait3A_184 = arith.constant 0 : i32
          %dma_wait3A_185 = arith.constant 0 : i32
          %dma_wait3A_186 = tpu.memref_slice %arg5[%dma_wait3A_184, %dma_wait3A_185] : memref<524288x128xf32, #tpu.memory_space<hbm>> -> memref<128x128xf32, #tpu.memory_space<hbm>>
          %dma_wait3A_187 = arith.constant 0 : i32
          %dma_wait3A_188 = arith.constant 0 : i32
          %dma_wait3A_189 = tpu.memref_slice %arg5[%dma_wait3A_187, %dma_wait3A_188] : memref<524288x128xf32, #tpu.memory_space<hbm>> -> memref<128x128xf32, #tpu.memory_space<hbm>>
          tpu.wait_dma2 semaphore(%arg18 : memref<!tpu.dma_semaphore, #tpu.memory_space<semaphore_mem>>) src(%arg8 : memref<128x128xf32, #tpu.memory_space<vmem>>) dst(%dma_wait3A_189 : memref<128x128xf32, #tpu.memory_space<hbm>>)
        } else {
        }
        %add3A_176 = arith.constant 3 : i32
        %add3A_177 = arith.addi %add3A_127, %add3A_176 : i32
        %dma_start3A_178 = arith.constant 0 : i32
        %dma_start3A_179 = tpu.memref_slice %arg7[%add3A_177, %dma_start3A_178] : memref<128x128xi32, #tpu.memory_space<vmem>> -> memref<1x128xi32, #tpu.memory_space<vmem>>
        %dma_start3A_180 = tpu.memref_squeeze %dma_start3A_179 : memref<1x128xi32, #tpu.memory_space<vmem>> -> memref<128xi32, #tpu.memory_space<vmem>>
        %dma_start3A_181 = arith.constant 0 : i32
        %dma_start3A_182 = arith.constant 0 : i32
        %dma_start3A_183 = tpu.memref_slice %arg2[%dma_start3A_181, %dma_start3A_182] : memref<100000x128xf32, #tpu.memory_space<hbm>> -> memref<100000x128xf32, #tpu.memory_space<hbm>>
        tpu.enqueue_indirect_dma source(%dma_start3A_183 : memref<100000x128xf32, #tpu.memory_space<hbm>>) target(%arg8 : memref<128x128xf32, #tpu.memory_space<vmem>>) offsets(%dma_start3A_180 : memref<128xi32, #tpu.memory_space<vmem>>) semaphore(%arg13 : memref<!tpu.dma_semaphore, #tpu.memory_space<semaphore_mem>>)
      } else {
      }
      %lt3A_135 = arith.constant 128 : i32
      %lt3A_136 = arith.cmpi slt, %add3A_127, %lt3A_135 : i32
      %convert_element_type3A_137 = arith.extui %lt3A_136 : i1 to i32
      %cond3A_138 = arith.constant 0 : i32
      %cond3A_139 = arith.cmpi ne, %convert_element_type3A_137, %cond3A_138 : i32
      scf.if %cond3A_139 {
        %dma_wait3A_172 = arith.constant 0 : i32
        %dma_wait3A_173 = arith.constant 0 : i32
        %dma_wait3A_174 = tpu.memref_slice %arg7[%dma_wait3A_172, %dma_wait3A_173] : memref<128x128xi32, #tpu.memory_space<vmem>> -> memref<1x128xi32, #tpu.memory_space<vmem>>
        %dma_wait3A_175 = tpu.memref_squeeze %dma_wait3A_174 : memref<1x128xi32, #tpu.memory_space<vmem>> -> memref<128xi32, #tpu.memory_space<vmem>>
        %dma_wait3A_176 = arith.constant 0 : i32
        %dma_wait3A_177 = arith.constant 0 : i32
        %dma_wait3A_178 = tpu.memref_slice %arg2[%dma_wait3A_176, %dma_wait3A_177] : memref<100000x128xf32, #tpu.memory_space<hbm>> -> memref<100000x128xf32, #tpu.memory_space<hbm>>
        tpu.wait_indirect_dma semaphore(%arg15 : memref<!tpu.dma_semaphore, #tpu.memory_space<semaphore_mem>>) src(%dma_wait3A_178 : memref<100000x128xf32, #tpu.memory_space<hbm>>) dst(%arg10 : memref<128x128xf32, #tpu.memory_space<vmem>>)
        %parallel_loop3A = arith.constant 0 : i32
        %parallel_loop3A_179 = arith.constant 128 : i32
        %parallel_loop3A_180 = arith.constant 1 : i32
        scf.for %parallel_loop3A_191 = %parallel_loop3A to %parallel_loop3A_179 step %parallel_loop3A_180  : i32 {
          %parallel_loop3A_192 = arith.index_cast %parallel_loop3A_191 : i32 to index
          %parallel_loop3A_193 = arith.constant 0 : index
          %parallel_loop3A_194 = tpu.vector_load %arg6[%parallel_loop3A_192, %parallel_loop3A_193] {strides = array<i32>} : memref<128x128xf32, #tpu.memory_space<vmem>>, vector<1x16xf32>,
          %parallel_loop3A_195 = vector.shape_cast %parallel_loop3A_194 : vector<1x16xf32> to vector<16xf32>
          %parallel_loop3A_196 = arith.index_cast %parallel_loop3A_191 : i32 to index
          %parallel_loop3A_197 = arith.constant 0 : index
          %parallel_loop3A_198 = tpu.vector_load %arg10[%parallel_loop3A_196, %parallel_loop3A_197] {strides = array<i32>} : memref<128x128xf32, #tpu.memory_space<vmem>>, vector<1x16xf32>,
          %parallel_loop3A_199 = vector.shape_cast %parallel_loop3A_198 : vector<1x16xf32> to vector<16xf32>
          %parallel_loop3A_200 = vector.shape_cast %parallel_loop3A_195 : vector<16xf32> to vector<1x16xf32>
          tpu.vector_store %arg10[%parallel_loop3A_196, %parallel_loop3A_197], %parallel_loop3A_200 {add = true, strides = array<i32>} : memref<128x128xf32, #tpu.memory_space<vmem>>, vector<1x16xf32>,
          %parallel_loop3A_201 = arith.index_cast %parallel_loop3A_191 : i32 to index
          %parallel_loop3A_202 = arith.constant 16 : index
          %parallel_loop3A_203 = tpu.vector_load %arg6[%parallel_loop3A_201, %parallel_loop3A_202] {strides = array<i32>} : memref<128x128xf32, #tpu.memory_space<vmem>>, vector<1x16xf32>,
          %parallel_loop3A_204 = vector.shape_cast %parallel_loop3A_203 : vector<1x16xf32> to vector<16xf32>
          %parallel_loop3A_205 = arith.index_cast %parallel_loop3A_191 : i32 to index
          %parallel_loop3A_206 = arith.constant 16 : index
          %parallel_loop3A_207 = tpu.vector_load %arg10[%parallel_loop3A_205, %parallel_loop3A_206] {strides = array<i32>} : memref<128x128xf32, #tpu.memory_space<vmem>>, vector<1x16xf32>,
          %parallel_loop3A_208 = vector.shape_cast %parallel_loop3A_207 : vector<1x16xf32> to vector<16xf32>
          %parallel_loop3A_209 = vector.shape_cast %parallel_loop3A_204 : vector<16xf32> to vector<1x16xf32>
          tpu.vector_store %arg10[%parallel_loop3A_205, %parallel_loop3A_206], %parallel_loop3A_209 {add = true, strides = array<i32>} : memref<128x128xf32, #tpu.memory_space<vmem>>, vector<1x16xf32>,
          %parallel_loop3A_210 = arith.index_cast %parallel_loop3A_191 : i32 to index
          %parallel_loop3A_211 = arith.constant 32 : index
          %parallel_loop3A_212 = tpu.vector_load %arg6[%parallel_loop3A_210, %parallel_loop3A_211] {strides = array<i32>} : memref<128x128xf32, #tpu.memory_space<vmem>>, vector<1x16xf32>,
          %parallel_loop3A_213 = vector.shape_cast %parallel_loop3A_212 : vector<1x16xf32> to vector<16xf32>
          %parallel_loop3A_214 = arith.index_cast %parallel_loop3A_191 : i32 to index
          %parallel_loop3A_215 = arith.constant 32 : index
          %parallel_loop3A_216 = tpu.vector_load %arg10[%parallel_loop3A_214, %parallel_loop3A_215] {strides = array<i32>} : memref<128x128xf32, #tpu.memory_space<vmem>>, vector<1x16xf32>,
          %parallel_loop3A_217 = vector.shape_cast %parallel_loop3A_216 : vector<1x16xf32> to vector<16xf32>
          %parallel_loop3A_218 = vector.shape_cast %parallel_loop3A_213 : vector<16xf32> to vector<1x16xf32>
          tpu.vector_store %arg10[%parallel_loop3A_214, %parallel_loop3A_215], %parallel_loop3A_218 {add = true, strides = array<i32>} : memref<128x128xf32, #tpu.memory_space<vmem>>, vector<1x16xf32>,
          %parallel_loop3A_219 = arith.index_cast %parallel_loop3A_191 : i32 to index
          %parallel_loop3A_220 = arith.constant 48 : index
          %parallel_loop3A_221 = tpu.vector_load %arg6[%parallel_loop3A_219, %parallel_loop3A_220] {strides = array<i32>} : memref<128x128xf32, #tpu.memory_space<vmem>>, vector<1x16xf32>,
          %parallel_loop3A_222 = vector.shape_cast %parallel_loop3A_221 : vector<1x16xf32> to vector<16xf32>
          %parallel_loop3A_223 = arith.index_cast %parallel_loop3A_191 : i32 to index
          %parallel_loop3A_224 = arith.constant 48 : index
          %parallel_loop3A_225 = tpu.vector_load %arg10[%parallel_loop3A_223, %parallel_loop3A_224] {strides = array<i32>} : memref<128x128xf32, #tpu.memory_space<vmem>>, vector<1x16xf32>,
          %parallel_loop3A_226 = vector.shape_cast %parallel_loop3A_225 : vector<1x16xf32> to vector<16xf32>
          %parallel_loop3A_227 = vector.shape_cast %parallel_loop3A_222 : vector<16xf32> to vector<1x16xf32>
          tpu.vector_store %arg10[%parallel_loop3A_223, %parallel_loop3A_224], %parallel_loop3A_227 {add = true, strides = array<i32>} : memref<128x128xf32, #tpu.memory_space<vmem>>, vector<1x16xf32>,
          %parallel_loop3A_228 = arith.index_cast %parallel_loop3A_191 : i32 to index
          %parallel_loop3A_229 = arith.constant 64 : index
          %parallel_loop3A_230 = tpu.vector_load %arg6[%parallel_loop3A_228, %parallel_loop3A_229] {strides = array<i32>} : memref<128x128xf32, #tpu.memory_space<vmem>>, vector<1x16xf32>,
          %parallel_loop3A_231 = vector.shape_cast %parallel_loop3A_230 : vector<1x16xf32> to vector<16xf32>
          %parallel_loop3A_232 = arith.index_cast %parallel_loop3A_191 : i32 to index
          %parallel_loop3A_233 = arith.constant 64 : index
          %parallel_loop3A_234 = tpu.vector_load %arg10[%parallel_loop3A_232, %parallel_loop3A_233] {strides = array<i32>} : memref<128x128xf32, #tpu.memory_space<vmem>>, vector<1x16xf32>,
          %parallel_loop3A_235 = vector.shape_cast %parallel_loop3A_234 : vector<1x16xf32> to vector<16xf32>
          %parallel_loop3A_236 = vector.shape_cast %parallel_loop3A_231 : vector<16xf32> to vector<1x16xf32>
          tpu.vector_store %arg10[%parallel_loop3A_232, %parallel_loop3A_233], %parallel_loop3A_236 {add = true, strides = array<i32>} : memref<128x128xf32, #tpu.memory_space<vmem>>, vector<1x16xf32>,
          %parallel_loop3A_237 = arith.index_cast %parallel_loop3A_191 : i32 to index
          %parallel_loop3A_238 = arith.constant 80 : index
          %parallel_loop3A_239 = tpu.vector_load %arg6[%parallel_loop3A_237, %parallel_loop3A_238] {strides = array<i32>} : memref<128x128xf32, #tpu.memory_space<vmem>>, vector<1x16xf32>,
          %parallel_loop3A_240 = vector.shape_cast %parallel_loop3A_239 : vector<1x16xf32> to vector<16xf32>
          %parallel_loop3A_241 = arith.index_cast %parallel_loop3A_191 : i32 to index
          %parallel_loop3A_242 = arith.constant 80 : index
          %parallel_loop3A_243 = tpu.vector_load %arg10[%parallel_loop3A_241, %parallel_loop3A_242] {strides = array<i32>} : memref<128x128xf32, #tpu.memory_space<vmem>>, vector<1x16xf32>,
          %parallel_loop3A_244 = vector.shape_cast %parallel_loop3A_243 : vector<1x16xf32> to vector<16xf32>
          %parallel_loop3A_245 = vector.shape_cast %parallel_loop3A_240 : vector<16xf32> to vector<1x16xf32>
          tpu.vector_store %arg10[%parallel_loop3A_241, %parallel_loop3A_242], %parallel_loop3A_245 {add = true, strides = array<i32>} : memref<128x128xf32, #tpu.memory_space<vmem>>, vector<1x16xf32>,
          %parallel_loop3A_246 = arith.index_cast %parallel_loop3A_191 : i32 to index
          %parallel_loop3A_247 = arith.constant 96 : index
          %parallel_loop3A_248 = tpu.vector_load %arg6[%parallel_loop3A_246, %parallel_loop3A_247] {strides = array<i32>} : memref<128x128xf32, #tpu.memory_space<vmem>>, vector<1x16xf32>,
          %parallel_loop3A_249 = vector.shape_cast %parallel_loop3A_248 : vector<1x16xf32> to vector<16xf32>
          %parallel_loop3A_250 = arith.index_cast %parallel_loop3A_191 : i32 to index
          %parallel_loop3A_251 = arith.constant 96 : index
          %parallel_loop3A_252 = tpu.vector_load %arg10[%parallel_loop3A_250, %parallel_loop3A_251] {strides = array<i32>} : memref<128x128xf32, #tpu.memory_space<vmem>>, vector<1x16xf32>,
          %parallel_loop3A_253 = vector.shape_cast %parallel_loop3A_252 : vector<1x16xf32> to vector<16xf32>
          %parallel_loop3A_254 = vector.shape_cast %parallel_loop3A_249 : vector<16xf32> to vector<1x16xf32>
          tpu.vector_store %arg10[%parallel_loop3A_250, %parallel_loop3A_251], %parallel_loop3A_254 {add = true, strides = array<i32>} : memref<128x128xf32, #tpu.memory_space<vmem>>, vector<1x16xf32>,
          %parallel_loop3A_255 = arith.index_cast %parallel_loop3A_191 : i32 to index
          %parallel_loop3A_256 = arith.constant 112 : index
          %parallel_loop3A_257 = tpu.vector_load %arg6[%parallel_loop3A_255, %parallel_loop3A_256] {strides = array<i32>} : memref<128x128xf32, #tpu.memory_space<vmem>>, vector<1x16xf32>,
          %parallel_loop3A_258 = vector.shape_cast %parallel_loop3A_257 : vector<1x16xf32> to vector<16xf32>
          %parallel_loop3A_259 = arith.index_cast %parallel_loop3A_191 : i32 to index
          %parallel_loop3A_260 = arith.constant 112 : index
          %parallel_loop3A_261 = tpu.vector_load %arg10[%parallel_loop3A_259, %parallel_loop3A_260] {strides = array<i32>} : memref<128x128xf32, #tpu.memory_space<vmem>>, vector<1x16xf32>,
          %parallel_loop3A_262 = vector.shape_cast %parallel_loop3A_261 : vector<1x16xf32> to vector<16xf32>
          %parallel_loop3A_263 = vector.shape_cast %parallel_loop3A_258 : vector<16xf32> to vector<1x16xf32>
          tpu.vector_store %arg10[%parallel_loop3A_259, %parallel_loop3A_260], %parallel_loop3A_263 {add = true, strides = array<i32>} : memref<128x128xf32, #tpu.memory_space<vmem>>, vector<1x16xf32>,
        } {sc.loop_unroll_factor = 4 : i64, sc.parallel_access}
        %add3A_181 = arith.addi %mul3A_38, %add3A_127 : i32
        %mul3A_182 = arith.constant 512 : i32
        %mul3A_183 = arith.muli %add3A_181, %mul3A_182 : i32
        %mul3A_184 = arith.constant 128 : i32
        %mul3A_185 = arith.muli %select_n3A_9, %mul3A_184 : i32
        %add3A_186 = arith.addi %mul3A_183, %mul3A_185 : i32
        %dma_start3A_187 = arith.constant 0 : i32
        %dma_start3A_188 = tpu.memref_slice %arg5[%add3A_186, %dma_start3A_187] : memref<524288x128xf32, #tpu.memory_space<hbm>> -> memref<128x128xf32, #tpu.memory_space<hbm>>
        %dma_start3A_189 = arith.constant 0 : i32
        %dma_start3A_190 = tpu.memref_slice %arg5[%add3A_186, %dma_start3A_189] : memref<524288x128xf32, #tpu.memory_space<hbm>> -> memref<128x128xf32, #tpu.memory_space<hbm>>
        tpu.enqueue_dma source(%arg10 : memref<128x128xf32, #tpu.memory_space<vmem>>) target(%dma_start3A_190 : memref<128x128xf32, #tpu.memory_space<hbm>>) target_semaphore(%arg20 : memref<!tpu.dma_semaphore, #tpu.memory_space<semaphore_mem>>)
      } else {
      }
      %mul3A_140 = arith.constant 5 : i32
      %mul3A_141 = arith.muli %scan3A_93, %mul3A_140 : i32
      %add3A_142 = arith.constant 3 : i32
      %add3A_143 = arith.addi %mul3A_141, %add3A_142 : i32
      %add3A_144 = arith.constant 3 : i32
      %add3A_145 = arith.addi %add3A_143, %add3A_144 : i32
      %lt3A_146 = arith.constant 128 : i32
      %lt3A_147 = arith.cmpi slt, %add3A_145, %lt3A_146 : i32
      %convert_element_type3A_148 = arith.extui %lt3A_147 : i1 to i32
      %cond3A_149 = arith.constant 0 : i32
      %cond3A_150 = arith.cmpi ne, %convert_element_type3A_148, %cond3A_149 : i32
      scf.if %cond3A_150 {
        %ge3A = arith.constant 2 : i32
        %ge3A_172 = arith.cmpi sge, %add3A_143, %ge3A : i32
        %convert_element_type3A_173 = arith.extui %ge3A_172 : i1 to i32
        %cond3A_174 = arith.constant 0 : i32
        %cond3A_175 = arith.cmpi ne, %convert_element_type3A_173, %cond3A_174 : i32
        scf.if %cond3A_175 {
          %dma_wait3A_184 = arith.constant 0 : i32
          %dma_wait3A_185 = arith.constant 0 : i32
          %dma_wait3A_186 = tpu.memref_slice %arg5[%dma_wait3A_184, %dma_wait3A_185] : memref<524288x128xf32, #tpu.memory_space<hbm>> -> memref<128x128xf32, #tpu.memory_space<hbm>>
          %dma_wait3A_187 = arith.constant 0 : i32
          %dma_wait3A_188 = arith.constant 0 : i32
          %dma_wait3A_189 = tpu.memref_slice %arg5[%dma_wait3A_187, %dma_wait3A_188] : memref<524288x128xf32, #tpu.memory_space<hbm>> -> memref<128x128xf32, #tpu.memory_space<hbm>>
          tpu.wait_dma2 semaphore(%arg19 : memref<!tpu.dma_semaphore, #tpu.memory_space<semaphore_mem>>) src(%arg9 : memref<128x128xf32, #tpu.memory_space<vmem>>) dst(%dma_wait3A_189 : memref<128x128xf32, #tpu.memory_space<hbm>>)
        } else {
        }
        %add3A_176 = arith.constant 3 : i32
        %add3A_177 = arith.addi %add3A_143, %add3A_176 : i32
        %dma_start3A_178 = arith.constant 0 : i32
        %dma_start3A_179 = tpu.memref_slice %arg7[%add3A_177, %dma_start3A_178] : memref<128x128xi32, #tpu.memory_space<vmem>> -> memref<1x128xi32, #tpu.memory_space<vmem>>
        %dma_start3A_180 = tpu.memref_squeeze %dma_start3A_179 : memref<1x128xi32, #tpu.memory_space<vmem>> -> memref<128xi32, #tpu.memory_space<vmem>>
        %dma_start3A_181 = arith.constant 0 : i32
        %dma_start3A_182 = arith.constant 0 : i32
        %dma_start3A_183 = tpu.memref_slice %arg2[%dma_start3A_181, %dma_start3A_182] : memref<100000x128xf32, #tpu.memory_space<hbm>> -> memref<100000x128xf32, #tpu.memory_space<hbm>>
        tpu.enqueue_indirect_dma source(%dma_start3A_183 : memref<100000x128xf32, #tpu.memory_space<hbm>>) target(%arg9 : memref<128x128xf32, #tpu.memory_space<vmem>>) offsets(%dma_start3A_180 : memref<128xi32, #tpu.memory_space<vmem>>) semaphore(%arg14 : memref<!tpu.dma_semaphore, #tpu.memory_space<semaphore_mem>>)
      } else {
      }
      %lt3A_151 = arith.constant 128 : i32
      %lt3A_152 = arith.cmpi slt, %add3A_143, %lt3A_151 : i32
      %convert_element_type3A_153 = arith.extui %lt3A_152 : i1 to i32
      %cond3A_154 = arith.constant 0 : i32
      %cond3A_155 = arith.cmpi ne, %convert_element_type3A_153, %cond3A_154 : i32
      scf.if %cond3A_155 {
        %dma_wait3A_172 = arith.constant 0 : i32
        %dma_wait3A_173 = arith.constant 0 : i32
        %dma_wait3A_174 = tpu.memref_slice %arg7[%dma_wait3A_172, %dma_wait3A_173] : memref<128x128xi32, #tpu.memory_space<vmem>> -> memref<1x128xi32, #tpu.memory_space<vmem>>
        %dma_wait3A_175 = tpu.memref_squeeze %dma_wait3A_174 : memref<1x128xi32, #tpu.memory_space<vmem>> -> memref<128xi32, #tpu.memory_space<vmem>>
        %dma_wait3A_176 = arith.constant 0 : i32
        %dma_wait3A_177 = arith.constant 0 : i32
        %dma_wait3A_178 = tpu.memref_slice %arg2[%dma_wait3A_176, %dma_wait3A_177] : memref<100000x128xf32, #tpu.memory_space<hbm>> -> memref<100000x128xf32, #tpu.memory_space<hbm>>
        tpu.wait_indirect_dma semaphore(%arg16 : memref<!tpu.dma_semaphore, #tpu.memory_space<semaphore_mem>>) src(%dma_wait3A_178 : memref<100000x128xf32, #tpu.memory_space<hbm>>) dst(%arg11 : memref<128x128xf32, #tpu.memory_space<vmem>>)
        %parallel_loop3A = arith.constant 0 : i32
        %parallel_loop3A_179 = arith.constant 128 : i32
        %parallel_loop3A_180 = arith.constant 1 : i32
        scf.for %parallel_loop3A_191 = %parallel_loop3A to %parallel_loop3A_179 step %parallel_loop3A_180  : i32 {
          %parallel_loop3A_192 = arith.index_cast %parallel_loop3A_191 : i32 to index
          %parallel_loop3A_193 = arith.constant 0 : index
          %parallel_loop3A_194 = tpu.vector_load %arg6[%parallel_loop3A_192, %parallel_loop3A_193] {strides = array<i32>} : memref<128x128xf32, #tpu.memory_space<vmem>>, vector<1x16xf32>,
          %parallel_loop3A_195 = vector.shape_cast %parallel_loop3A_194 : vector<1x16xf32> to vector<16xf32>
          %parallel_loop3A_196 = arith.index_cast %parallel_loop3A_191 : i32 to index
          %parallel_loop3A_197 = arith.constant 0 : index
          %parallel_loop3A_198 = tpu.vector_load %arg11[%parallel_loop3A_196, %parallel_loop3A_197] {strides = array<i32>} : memref<128x128xf32, #tpu.memory_space<vmem>>, vector<1x16xf32>,
          %parallel_loop3A_199 = vector.shape_cast %parallel_loop3A_198 : vector<1x16xf32> to vector<16xf32>
          %parallel_loop3A_200 = vector.shape_cast %parallel_loop3A_195 : vector<16xf32> to vector<1x16xf32>
          tpu.vector_store %arg11[%parallel_loop3A_196, %parallel_loop3A_197], %parallel_loop3A_200 {add = true, strides = array<i32>} : memref<128x128xf32, #tpu.memory_space<vmem>>, vector<1x16xf32>,
          %parallel_loop3A_201 = arith.index_cast %parallel_loop3A_191 : i32 to index
          %parallel_loop3A_202 = arith.constant 16 : index
          %parallel_loop3A_203 = tpu.vector_load %arg6[%parallel_loop3A_201, %parallel_loop3A_202] {strides = array<i32>} : memref<128x128xf32, #tpu.memory_space<vmem>>, vector<1x16xf32>,
          %parallel_loop3A_204 = vector.shape_cast %parallel_loop3A_203 : vector<1x16xf32> to vector<16xf32>
          %parallel_loop3A_205 = arith.index_cast %parallel_loop3A_191 : i32 to index
          %parallel_loop3A_206 = arith.constant 16 : index
          %parallel_loop3A_207 = tpu.vector_load %arg11[%parallel_loop3A_205, %parallel_loop3A_206] {strides = array<i32>} : memref<128x128xf32, #tpu.memory_space<vmem>>, vector<1x16xf32>,
          %parallel_loop3A_208 = vector.shape_cast %parallel_loop3A_207 : vector<1x16xf32> to vector<16xf32>
          %parallel_loop3A_209 = vector.shape_cast %parallel_loop3A_204 : vector<16xf32> to vector<1x16xf32>
          tpu.vector_store %arg11[%parallel_loop3A_205, %parallel_loop3A_206], %parallel_loop3A_209 {add = true, strides = array<i32>} : memref<128x128xf32, #tpu.memory_space<vmem>>, vector<1x16xf32>,
          %parallel_loop3A_210 = arith.index_cast %parallel_loop3A_191 : i32 to index
          %parallel_loop3A_211 = arith.constant 32 : index
          %parallel_loop3A_212 = tpu.vector_load %arg6[%parallel_loop3A_210, %parallel_loop3A_211] {strides = array<i32>} : memref<128x128xf32, #tpu.memory_space<vmem>>, vector<1x16xf32>,
          %parallel_loop3A_213 = vector.shape_cast %parallel_loop3A_212 : vector<1x16xf32> to vector<16xf32>
          %parallel_loop3A_214 = arith.index_cast %parallel_loop3A_191 : i32 to index
          %parallel_loop3A_215 = arith.constant 32 : index
          %parallel_loop3A_216 = tpu.vector_load %arg11[%parallel_loop3A_214, %parallel_loop3A_215] {strides = array<i32>} : memref<128x128xf32, #tpu.memory_space<vmem>>, vector<1x16xf32>,
          %parallel_loop3A_217 = vector.shape_cast %parallel_loop3A_216 : vector<1x16xf32> to vector<16xf32>
          %parallel_loop3A_218 = vector.shape_cast %parallel_loop3A_213 : vector<16xf32> to vector<1x16xf32>
          tpu.vector_store %arg11[%parallel_loop3A_214, %parallel_loop3A_215], %parallel_loop3A_218 {add = true, strides = array<i32>} : memref<128x128xf32, #tpu.memory_space<vmem>>, vector<1x16xf32>,
          %parallel_loop3A_219 = arith.index_cast %parallel_loop3A_191 : i32 to index
          %parallel_loop3A_220 = arith.constant 48 : index
          %parallel_loop3A_221 = tpu.vector_load %arg6[%parallel_loop3A_219, %parallel_loop3A_220] {strides = array<i32>} : memref<128x128xf32, #tpu.memory_space<vmem>>, vector<1x16xf32>,
          %parallel_loop3A_222 = vector.shape_cast %parallel_loop3A_221 : vector<1x16xf32> to vector<16xf32>
          %parallel_loop3A_223 = arith.index_cast %parallel_loop3A_191 : i32 to index
          %parallel_loop3A_224 = arith.constant 48 : index
          %parallel_loop3A_225 = tpu.vector_load %arg11[%parallel_loop3A_223, %parallel_loop3A_224] {strides = array<i32>} : memref<128x128xf32, #tpu.memory_space<vmem>>, vector<1x16xf32>,
          %parallel_loop3A_226 = vector.shape_cast %parallel_loop3A_225 : vector<1x16xf32> to vector<16xf32>
          %parallel_loop3A_227 = vector.shape_cast %parallel_loop3A_222 : vector<16xf32> to vector<1x16xf32>
          tpu.vector_store %arg11[%parallel_loop3A_223, %parallel_loop3A_224], %parallel_loop3A_227 {add = true, strides = array<i32>} : memref<128x128xf32, #tpu.memory_space<vmem>>, vector<1x16xf32>,
          %parallel_loop3A_228 = arith.index_cast %parallel_loop3A_191 : i32 to index
          %parallel_loop3A_229 = arith.constant 64 : index
          %parallel_loop3A_230 = tpu.vector_load %arg6[%parallel_loop3A_228, %parallel_loop3A_229] {strides = array<i32>} : memref<128x128xf32, #tpu.memory_space<vmem>>, vector<1x16xf32>,
          %parallel_loop3A_231 = vector.shape_cast %parallel_loop3A_230 : vector<1x16xf32> to vector<16xf32>
          %parallel_loop3A_232 = arith.index_cast %parallel_loop3A_191 : i32 to index
          %parallel_loop3A_233 = arith.constant 64 : index
          %parallel_loop3A_234 = tpu.vector_load %arg11[%parallel_loop3A_232, %parallel_loop3A_233] {strides = array<i32>} : memref<128x128xf32, #tpu.memory_space<vmem>>, vector<1x16xf32>,
          %parallel_loop3A_235 = vector.shape_cast %parallel_loop3A_234 : vector<1x16xf32> to vector<16xf32>
          %parallel_loop3A_236 = vector.shape_cast %parallel_loop3A_231 : vector<16xf32> to vector<1x16xf32>
          tpu.vector_store %arg11[%parallel_loop3A_232, %parallel_loop3A_233], %parallel_loop3A_236 {add = true, strides = array<i32>} : memref<128x128xf32, #tpu.memory_space<vmem>>, vector<1x16xf32>,
          %parallel_loop3A_237 = arith.index_cast %parallel_loop3A_191 : i32 to index
          %parallel_loop3A_238 = arith.constant 80 : index
          %parallel_loop3A_239 = tpu.vector_load %arg6[%parallel_loop3A_237, %parallel_loop3A_238] {strides = array<i32>} : memref<128x128xf32, #tpu.memory_space<vmem>>, vector<1x16xf32>,
          %parallel_loop3A_240 = vector.shape_cast %parallel_loop3A_239 : vector<1x16xf32> to vector<16xf32>
          %parallel_loop3A_241 = arith.index_cast %parallel_loop3A_191 : i32 to index
          %parallel_loop3A_242 = arith.constant 80 : index
          %parallel_loop3A_243 = tpu.vector_load %arg11[%parallel_loop3A_241, %parallel_loop3A_242] {strides = array<i32>} : memref<128x128xf32, #tpu.memory_space<vmem>>, vector<1x16xf32>,
          %parallel_loop3A_244 = vector.shape_cast %parallel_loop3A_243 : vector<1x16xf32> to vector<16xf32>
          %parallel_loop3A_245 = vector.shape_cast %parallel_loop3A_240 : vector<16xf32> to vector<1x16xf32>
          tpu.vector_store %arg11[%parallel_loop3A_241, %parallel_loop3A_242], %parallel_loop3A_245 {add = true, strides = array<i32>} : memref<128x128xf32, #tpu.memory_space<vmem>>, vector<1x16xf32>,
          %parallel_loop3A_246 = arith.index_cast %parallel_loop3A_191 : i32 to index
          %parallel_loop3A_247 = arith.constant 96 : index
          %parallel_loop3A_248 = tpu.vector_load %arg6[%parallel_loop3A_246, %parallel_loop3A_247] {strides = array<i32>} : memref<128x128xf32, #tpu.memory_space<vmem>>, vector<1x16xf32>,
          %parallel_loop3A_249 = vector.shape_cast %parallel_loop3A_248 : vector<1x16xf32> to vector<16xf32>
          %parallel_loop3A_250 = arith.index_cast %parallel_loop3A_191 : i32 to index
          %parallel_loop3A_251 = arith.constant 96 : index
          %parallel_loop3A_252 = tpu.vector_load %arg11[%parallel_loop3A_250, %parallel_loop3A_251] {strides = array<i32>} : memref<128x128xf32, #tpu.memory_space<vmem>>, vector<1x16xf32>,
          %parallel_loop3A_253 = vector.shape_cast %parallel_loop3A_252 : vector<1x16xf32> to vector<16xf32>
          %parallel_loop3A_254 = vector.shape_cast %parallel_loop3A_249 : vector<16xf32> to vector<1x16xf32>
          tpu.vector_store %arg11[%parallel_loop3A_250, %parallel_loop3A_251], %parallel_loop3A_254 {add = true, strides = array<i32>} : memref<128x128xf32, #tpu.memory_space<vmem>>, vector<1x16xf32>,
          %parallel_loop3A_255 = arith.index_cast %parallel_loop3A_191 : i32 to index
          %parallel_loop3A_256 = arith.constant 112 : index
          %parallel_loop3A_257 = tpu.vector_load %arg6[%parallel_loop3A_255, %parallel_loop3A_256] {strides = array<i32>} : memref<128x128xf32, #tpu.memory_space<vmem>>, vector<1x16xf32>,
          %parallel_loop3A_258 = vector.shape_cast %parallel_loop3A_257 : vector<1x16xf32> to vector<16xf32>
          %parallel_loop3A_259 = arith.index_cast %parallel_loop3A_191 : i32 to index
          %parallel_loop3A_260 = arith.constant 112 : index
          %parallel_loop3A_261 = tpu.vector_load %arg11[%parallel_loop3A_259, %parallel_loop3A_260] {strides = array<i32>} : memref<128x128xf32, #tpu.memory_space<vmem>>, vector<1x16xf32>,
          %parallel_loop3A_262 = vector.shape_cast %parallel_loop3A_261 : vector<1x16xf32> to vector<16xf32>
          %parallel_loop3A_263 = vector.shape_cast %parallel_loop3A_258 : vector<16xf32> to vector<1x16xf32>
          tpu.vector_store %arg11[%parallel_loop3A_259, %parallel_loop3A_260], %parallel_loop3A_263 {add = true, strides = array<i32>} : memref<128x128xf32, #tpu.memory_space<vmem>>, vector<1x16xf32>,
        } {sc.loop_unroll_factor = 4 : i64, sc.parallel_access}
        %add3A_181 = arith.addi %mul3A_38, %add3A_143 : i32
        %mul3A_182 = arith.constant 512 : i32
        %mul3A_183 = arith.muli %add3A_181, %mul3A_182 : i32
        %mul3A_184 = arith.constant 128 : i32
        %mul3A_185 = arith.muli %select_n3A_9, %mul3A_184 : i32
        %add3A_186 = arith.addi %mul3A_183, %mul3A_185 : i32
        %dma_start3A_187 = arith.constant 0 : i32
        %dma_start3A_188 = tpu.memref_slice %arg5[%add3A_186, %dma_start3A_187] : memref<524288x128xf32, #tpu.memory_space<hbm>> -> memref<128x128xf32, #tpu.memory_space<hbm>>
        %dma_start3A_189 = arith.constant 0 : i32
        %dma_start3A_190 = tpu.memref_slice %arg5[%add3A_186, %dma_start3A_189] : memref<524288x128xf32, #tpu.memory_space<hbm>> -> memref<128x128xf32, #tpu.memory_space<hbm>>
        tpu.enqueue_dma source(%arg11 : memref<128x128xf32, #tpu.memory_space<vmem>>) target(%dma_start3A_190 : memref<128x128xf32, #tpu.memory_space<hbm>>) target_semaphore(%arg21 : memref<!tpu.dma_semaphore, #tpu.memory_space<semaphore_mem>>)
      } else {
      }
      %mul3A_156 = arith.constant 5 : i32
      %mul3A_157 = arith.muli %scan3A_93, %mul3A_156 : i32
      %add3A_158 = arith.constant 4 : i32
      %add3A_159 = arith.addi %mul3A_157, %add3A_158 : i32
      %add3A_160 = arith.constant 3 : i32
      %add3A_161 = arith.addi %add3A_159, %add3A_160 : i32
      %lt3A_162 = arith.constant 128 : i32
      %lt3A_163 = arith.cmpi slt, %add3A_161, %lt3A_162 : i32
      %convert_element_type3A_164 = arith.extui %lt3A_163 : i1 to i32
      %cond3A_165 = arith.constant 0 : i32
      %cond3A_166 = arith.cmpi ne, %convert_element_type3A_164, %cond3A_165 : i32
      scf.if %cond3A_166 {
        %ge3A = arith.constant 2 : i32
        %ge3A_172 = arith.cmpi sge, %add3A_159, %ge3A : i32
        %convert_element_type3A_173 = arith.extui %ge3A_172 : i1 to i32
        %cond3A_174 = arith.constant 0 : i32
        %cond3A_175 = arith.cmpi ne, %convert_element_type3A_173, %cond3A_174 : i32
        scf.if %cond3A_175 {
          %dma_wait3A_184 = arith.constant 0 : i32
          %dma_wait3A_185 = arith.constant 0 : i32
          %dma_wait3A_186 = tpu.memref_slice %arg5[%dma_wait3A_184, %dma_wait3A_185] : memref<524288x128xf32, #tpu.memory_space<hbm>> -> memref<128x128xf32, #tpu.memory_space<hbm>>
          %dma_wait3A_187 = arith.constant 0 : i32
          %dma_wait3A_188 = arith.constant 0 : i32
          %dma_wait3A_189 = tpu.memref_slice %arg5[%dma_wait3A_187, %dma_wait3A_188] : memref<524288x128xf32, #tpu.memory_space<hbm>> -> memref<128x128xf32, #tpu.memory_space<hbm>>
          tpu.wait_dma2 semaphore(%arg20 : memref<!tpu.dma_semaphore, #tpu.memory_space<semaphore_mem>>) src(%arg10 : memref<128x128xf32, #tpu.memory_space<vmem>>) dst(%dma_wait3A_189 : memref<128x128xf32, #tpu.memory_space<hbm>>)
        } else {
        }
        %add3A_176 = arith.constant 3 : i32
        %add3A_177 = arith.addi %add3A_159, %add3A_176 : i32
        %dma_start3A_178 = arith.constant 0 : i32
        %dma_start3A_179 = tpu.memref_slice %arg7[%add3A_177, %dma_start3A_178] : memref<128x128xi32, #tpu.memory_space<vmem>> -> memref<1x128xi32, #tpu.memory_space<vmem>>
        %dma_start3A_180 = tpu.memref_squeeze %dma_start3A_179 : memref<1x128xi32, #tpu.memory_space<vmem>> -> memref<128xi32, #tpu.memory_space<vmem>>
        %dma_start3A_181 = arith.constant 0 : i32
        %dma_start3A_182 = arith.constant 0 : i32
        %dma_start3A_183 = tpu.memref_slice %arg2[%dma_start3A_181, %dma_start3A_182] : memref<100000x128xf32, #tpu.memory_space<hbm>> -> memref<100000x128xf32, #tpu.memory_space<hbm>>
        tpu.enqueue_indirect_dma source(%dma_start3A_183 : memref<100000x128xf32, #tpu.memory_space<hbm>>) target(%arg10 : memref<128x128xf32, #tpu.memory_space<vmem>>) offsets(%dma_start3A_180 : memref<128xi32, #tpu.memory_space<vmem>>) semaphore(%arg15 : memref<!tpu.dma_semaphore, #tpu.memory_space<semaphore_mem>>)
      } else {
      }
      %lt3A_167 = arith.constant 128 : i32
      %lt3A_168 = arith.cmpi slt, %add3A_159, %lt3A_167 : i32
      %convert_element_type3A_169 = arith.extui %lt3A_168 : i1 to i32
      %cond3A_170 = arith.constant 0 : i32
      %cond3A_171 = arith.cmpi ne, %convert_element_type3A_169, %cond3A_170 : i32
      scf.if %cond3A_171 {
        %dma_wait3A_172 = arith.constant 0 : i32
        %dma_wait3A_173 = arith.constant 0 : i32
        %dma_wait3A_174 = tpu.memref_slice %arg7[%dma_wait3A_172, %dma_wait3A_173] : memref<128x128xi32, #tpu.memory_space<vmem>> -> memref<1x128xi32, #tpu.memory_space<vmem>>
        %dma_wait3A_175 = tpu.memref_squeeze %dma_wait3A_174 : memref<1x128xi32, #tpu.memory_space<vmem>> -> memref<128xi32, #tpu.memory_space<vmem>>
        %dma_wait3A_176 = arith.constant 0 : i32
        %dma_wait3A_177 = arith.constant 0 : i32
        %dma_wait3A_178 = tpu.memref_slice %arg2[%dma_wait3A_176, %dma_wait3A_177] : memref<100000x128xf32, #tpu.memory_space<hbm>> -> memref<100000x128xf32, #tpu.memory_space<hbm>>
        tpu.wait_indirect_dma semaphore(%arg17 : memref<!tpu.dma_semaphore, #tpu.memory_space<semaphore_mem>>) src(%dma_wait3A_178 : memref<100000x128xf32, #tpu.memory_space<hbm>>) dst(%arg12 : memref<128x128xf32, #tpu.memory_space<vmem>>)
        %parallel_loop3A = arith.constant 0 : i32
        %parallel_loop3A_179 = arith.constant 128 : i32
        %parallel_loop3A_180 = arith.constant 1 : i32
        scf.for %parallel_loop3A_191 = %parallel_loop3A to %parallel_loop3A_179 step %parallel_loop3A_180  : i32 {
          %parallel_loop3A_192 = arith.index_cast %parallel_loop3A_191 : i32 to index
          %parallel_loop3A_193 = arith.constant 0 : index
          %parallel_loop3A_194 = tpu.vector_load %arg6[%parallel_loop3A_192, %parallel_loop3A_193] {strides = array<i32>} : memref<128x128xf32, #tpu.memory_space<vmem>>, vector<1x16xf32>,
          %parallel_loop3A_195 = vector.shape_cast %parallel_loop3A_194 : vector<1x16xf32> to vector<16xf32>
          %parallel_loop3A_196 = arith.index_cast %parallel_loop3A_191 : i32 to index
          %parallel_loop3A_197 = arith.constant 0 : index
          %parallel_loop3A_198 = tpu.vector_load %arg12[%parallel_loop3A_196, %parallel_loop3A_197] {strides = array<i32>} : memref<128x128xf32, #tpu.memory_space<vmem>>, vector<1x16xf32>,
          %parallel_loop3A_199 = vector.shape_cast %parallel_loop3A_198 : vector<1x16xf32> to vector<16xf32>
          %parallel_loop3A_200 = vector.shape_cast %parallel_loop3A_195 : vector<16xf32> to vector<1x16xf32>
          tpu.vector_store %arg12[%parallel_loop3A_196, %parallel_loop3A_197], %parallel_loop3A_200 {add = true, strides = array<i32>} : memref<128x128xf32, #tpu.memory_space<vmem>>, vector<1x16xf32>,
          %parallel_loop3A_201 = arith.index_cast %parallel_loop3A_191 : i32 to index
          %parallel_loop3A_202 = arith.constant 16 : index
          %parallel_loop3A_203 = tpu.vector_load %arg6[%parallel_loop3A_201, %parallel_loop3A_202] {strides = array<i32>} : memref<128x128xf32, #tpu.memory_space<vmem>>, vector<1x16xf32>,
          %parallel_loop3A_204 = vector.shape_cast %parallel_loop3A_203 : vector<1x16xf32> to vector<16xf32>
          %parallel_loop3A_205 = arith.index_cast %parallel_loop3A_191 : i32 to index
          %parallel_loop3A_206 = arith.constant 16 : index
          %parallel_loop3A_207 = tpu.vector_load %arg12[%parallel_loop3A_205, %parallel_loop3A_206] {strides = array<i32>} : memref<128x128xf32, #tpu.memory_space<vmem>>, vector<1x16xf32>,
          %parallel_loop3A_208 = vector.shape_cast %parallel_loop3A_207 : vector<1x16xf32> to vector<16xf32>
          %parallel_loop3A_209 = vector.shape_cast %parallel_loop3A_204 : vector<16xf32> to vector<1x16xf32>
          tpu.vector_store %arg12[%parallel_loop3A_205, %parallel_loop3A_206], %parallel_loop3A_209 {add = true, strides = array<i32>} : memref<128x128xf32, #tpu.memory_space<vmem>>, vector<1x16xf32>,
          %parallel_loop3A_210 = arith.index_cast %parallel_loop3A_191 : i32 to index
          %parallel_loop3A_211 = arith.constant 32 : index
          %parallel_loop3A_212 = tpu.vector_load %arg6[%parallel_loop3A_210, %parallel_loop3A_211] {strides = array<i32>} : memref<128x128xf32, #tpu.memory_space<vmem>>, vector<1x16xf32>,
          %parallel_loop3A_213 = vector.shape_cast %parallel_loop3A_212 : vector<1x16xf32> to vector<16xf32>
          %parallel_loop3A_214 = arith.index_cast %parallel_loop3A_191 : i32 to index
          %parallel_loop3A_215 = arith.constant 32 : index
          %parallel_loop3A_216 = tpu.vector_load %arg12[%parallel_loop3A_214, %parallel_loop3A_215] {strides = array<i32>} : memref<128x128xf32, #tpu.memory_space<vmem>>, vector<1x16xf32>,
          %parallel_loop3A_217 = vector.shape_cast %parallel_loop3A_216 : vector<1x16xf32> to vector<16xf32>
          %parallel_loop3A_218 = vector.shape_cast %parallel_loop3A_213 : vector<16xf32> to vector<1x16xf32>
          tpu.vector_store %arg12[%parallel_loop3A_214, %parallel_loop3A_215], %parallel_loop3A_218 {add = true, strides = array<i32>} : memref<128x128xf32, #tpu.memory_space<vmem>>, vector<1x16xf32>,
          %parallel_loop3A_219 = arith.index_cast %parallel_loop3A_191 : i32 to index
          %parallel_loop3A_220 = arith.constant 48 : index
          %parallel_loop3A_221 = tpu.vector_load %arg6[%parallel_loop3A_219, %parallel_loop3A_220] {strides = array<i32>} : memref<128x128xf32, #tpu.memory_space<vmem>>, vector<1x16xf32>,
          %parallel_loop3A_222 = vector.shape_cast %parallel_loop3A_221 : vector<1x16xf32> to vector<16xf32>
          %parallel_loop3A_223 = arith.index_cast %parallel_loop3A_191 : i32 to index
          %parallel_loop3A_224 = arith.constant 48 : index
          %parallel_loop3A_225 = tpu.vector_load %arg12[%parallel_loop3A_223, %parallel_loop3A_224] {strides = array<i32>} : memref<128x128xf32, #tpu.memory_space<vmem>>, vector<1x16xf32>,
          %parallel_loop3A_226 = vector.shape_cast %parallel_loop3A_225 : vector<1x16xf32> to vector<16xf32>
          %parallel_loop3A_227 = vector.shape_cast %parallel_loop3A_222 : vector<16xf32> to vector<1x16xf32>
          tpu.vector_store %arg12[%parallel_loop3A_223, %parallel_loop3A_224], %parallel_loop3A_227 {add = true, strides = array<i32>} : memref<128x128xf32, #tpu.memory_space<vmem>>, vector<1x16xf32>,
          %parallel_loop3A_228 = arith.index_cast %parallel_loop3A_191 : i32 to index
          %parallel_loop3A_229 = arith.constant 64 : index
          %parallel_loop3A_230 = tpu.vector_load %arg6[%parallel_loop3A_228, %parallel_loop3A_229] {strides = array<i32>} : memref<128x128xf32, #tpu.memory_space<vmem>>, vector<1x16xf32>,
          %parallel_loop3A_231 = vector.shape_cast %parallel_loop3A_230 : vector<1x16xf32> to vector<16xf32>
          %parallel_loop3A_232 = arith.index_cast %parallel_loop3A_191 : i32 to index
          %parallel_loop3A_233 = arith.constant 64 : index
          %parallel_loop3A_234 = tpu.vector_load %arg12[%parallel_loop3A_232, %parallel_loop3A_233] {strides = array<i32>} : memref<128x128xf32, #tpu.memory_space<vmem>>, vector<1x16xf32>,
          %parallel_loop3A_235 = vector.shape_cast %parallel_loop3A_234 : vector<1x16xf32> to vector<16xf32>
          %parallel_loop3A_236 = vector.shape_cast %parallel_loop3A_231 : vector<16xf32> to vector<1x16xf32>
          tpu.vector_store %arg12[%parallel_loop3A_232, %parallel_loop3A_233], %parallel_loop3A_236 {add = true, strides = array<i32>} : memref<128x128xf32, #tpu.memory_space<vmem>>, vector<1x16xf32>,
          %parallel_loop3A_237 = arith.index_cast %parallel_loop3A_191 : i32 to index
          %parallel_loop3A_238 = arith.constant 80 : index
          %parallel_loop3A_239 = tpu.vector_load %arg6[%parallel_loop3A_237, %parallel_loop3A_238] {strides = array<i32>} : memref<128x128xf32, #tpu.memory_space<vmem>>, vector<1x16xf32>,
          %parallel_loop3A_240 = vector.shape_cast %parallel_loop3A_239 : vector<1x16xf32> to vector<16xf32>
          %parallel_loop3A_241 = arith.index_cast %parallel_loop3A_191 : i32 to index
          %parallel_loop3A_242 = arith.constant 80 : index
          %parallel_loop3A_243 = tpu.vector_load %arg12[%parallel_loop3A_241, %parallel_loop3A_242] {strides = array<i32>} : memref<128x128xf32, #tpu.memory_space<vmem>>, vector<1x16xf32>,
          %parallel_loop3A_244 = vector.shape_cast %parallel_loop3A_243 : vector<1x16xf32> to vector<16xf32>
          %parallel_loop3A_245 = vector.shape_cast %parallel_loop3A_240 : vector<16xf32> to vector<1x16xf32>
          tpu.vector_store %arg12[%parallel_loop3A_241, %parallel_loop3A_242], %parallel_loop3A_245 {add = true, strides = array<i32>} : memref<128x128xf32, #tpu.memory_space<vmem>>, vector<1x16xf32>,
          %parallel_loop3A_246 = arith.index_cast %parallel_loop3A_191 : i32 to index
          %parallel_loop3A_247 = arith.constant 96 : index
          %parallel_loop3A_248 = tpu.vector_load %arg6[%parallel_loop3A_246, %parallel_loop3A_247] {strides = array<i32>} : memref<128x128xf32, #tpu.memory_space<vmem>>, vector<1x16xf32>,
          %parallel_loop3A_249 = vector.shape_cast %parallel_loop3A_248 : vector<1x16xf32> to vector<16xf32>
          %parallel_loop3A_250 = arith.index_cast %parallel_loop3A_191 : i32 to index
          %parallel_loop3A_251 = arith.constant 96 : index
          %parallel_loop3A_252 = tpu.vector_load %arg12[%parallel_loop3A_250, %parallel_loop3A_251] {strides = array<i32>} : memref<128x128xf32, #tpu.memory_space<vmem>>, vector<1x16xf32>,
          %parallel_loop3A_253 = vector.shape_cast %parallel_loop3A_252 : vector<1x16xf32> to vector<16xf32>
          %parallel_loop3A_254 = vector.shape_cast %parallel_loop3A_249 : vector<16xf32> to vector<1x16xf32>
          tpu.vector_store %arg12[%parallel_loop3A_250, %parallel_loop3A_251], %parallel_loop3A_254 {add = true, strides = array<i32>} : memref<128x128xf32, #tpu.memory_space<vmem>>, vector<1x16xf32>,
          %parallel_loop3A_255 = arith.index_cast %parallel_loop3A_191 : i32 to index
          %parallel_loop3A_256 = arith.constant 112 : index
          %parallel_loop3A_257 = tpu.vector_load %arg6[%parallel_loop3A_255, %parallel_loop3A_256] {strides = array<i32>} : memref<128x128xf32, #tpu.memory_space<vmem>>, vector<1x16xf32>,
          %parallel_loop3A_258 = vector.shape_cast %parallel_loop3A_257 : vector<1x16xf32> to vector<16xf32>
          %parallel_loop3A_259 = arith.index_cast %parallel_loop3A_191 : i32 to index
          %parallel_loop3A_260 = arith.constant 112 : index
          %parallel_loop3A_261 = tpu.vector_load %arg12[%parallel_loop3A_259, %parallel_loop3A_260] {strides = array<i32>} : memref<128x128xf32, #tpu.memory_space<vmem>>, vector<1x16xf32>,
          %parallel_loop3A_262 = vector.shape_cast %parallel_loop3A_261 : vector<1x16xf32> to vector<16xf32>
          %parallel_loop3A_263 = vector.shape_cast %parallel_loop3A_258 : vector<16xf32> to vector<1x16xf32>
          tpu.vector_store %arg12[%parallel_loop3A_259, %parallel_loop3A_260], %parallel_loop3A_263 {add = true, strides = array<i32>} : memref<128x128xf32, #tpu.memory_space<vmem>>, vector<1x16xf32>,
        } {sc.loop_unroll_factor = 4 : i64, sc.parallel_access}
        %add3A_181 = arith.addi %mul3A_38, %add3A_159 : i32
        %mul3A_182 = arith.constant 512 : i32
        %mul3A_183 = arith.muli %add3A_181, %mul3A_182 : i32
        %mul3A_184 = arith.constant 128 : i32
        %mul3A_185 = arith.muli %select_n3A_9, %mul3A_184 : i32
        %add3A_186 = arith.addi %mul3A_183, %mul3A_185 : i32
        %dma_start3A_187 = arith.constant 0 : i32
        %dma_start3A_188 = tpu.memref_slice %arg5[%add3A_186, %dma_start3A_187] : memref<524288x128xf32, #tpu.memory_space<hbm>> -> memref<128x128xf32, #tpu.memory_space<hbm>>
        %dma_start3A_189 = arith.constant 0 : i32
        %dma_start3A_190 = tpu.memref_slice %arg5[%add3A_186, %dma_start3A_189] : memref<524288x128xf32, #tpu.memory_space<hbm>> -> memref<128x128xf32, #tpu.memory_space<hbm>>
        tpu.enqueue_dma source(%arg12 : memref<128x128xf32, #tpu.memory_space<vmem>>) target(%dma_start3A_190 : memref<128x128xf32, #tpu.memory_space<hbm>>) target_semaphore(%arg22 : memref<!tpu.dma_semaphore, #tpu.memory_space<semaphore_mem>>)
      } else {
      }
    }
    %scan3A_63 = arith.constant 26 : i32
    %dma_wait3A = arith.constant 0 : i32
    %dma_wait3A_64 = arith.constant 0 : i32
    %dma_wait3A_65 = tpu.memref_slice %arg5[%dma_wait3A, %dma_wait3A_64] : memref<524288x128xf32, #tpu.memory_space<hbm>> -> memref<128x128xf32, #tpu.memory_space<hbm>>
    %dma_wait3A_66 = arith.constant 0 : i32
    %dma_wait3A_67 = arith.constant 0 : i32
    %dma_wait3A_68 = tpu.memref_slice %arg5[%dma_wait3A_66, %dma_wait3A_67] : memref<524288x128xf32, #tpu.memory_space<hbm>> -> memref<128x128xf32, #tpu.memory_space<hbm>>
    tpu.wait_dma2 semaphore(%arg18 : memref<!tpu.dma_semaphore, #tpu.memory_space<semaphore_mem>>) src(%arg8 : memref<128x128xf32, #tpu.memory_space<vmem>>) dst(%dma_wait3A_68 : memref<128x128xf32, #tpu.memory_space<hbm>>)
    %dma_wait3A_69 = arith.constant 0 : i32
    %dma_wait3A_70 = arith.constant 0 : i32
    %dma_wait3A_71 = tpu.memref_slice %arg5[%dma_wait3A_69, %dma_wait3A_70] : memref<524288x128xf32, #tpu.memory_space<hbm>> -> memref<128x128xf32, #tpu.memory_space<hbm>>
    %dma_wait3A_72 = arith.constant 0 : i32
    %dma_wait3A_73 = arith.constant 0 : i32
    %dma_wait3A_74 = tpu.memref_slice %arg5[%dma_wait3A_72, %dma_wait3A_73] : memref<524288x128xf32, #tpu.memory_space<hbm>> -> memref<128x128xf32, #tpu.memory_space<hbm>>
    tpu.wait_dma2 semaphore(%arg19 : memref<!tpu.dma_semaphore, #tpu.memory_space<semaphore_mem>>) src(%arg9 : memref<128x128xf32, #tpu.memory_space<vmem>>) dst(%dma_wait3A_74 : memref<128x128xf32, #tpu.memory_space<hbm>>)
    %dma_wait3A_75 = arith.constant 0 : i32
    %dma_wait3A_76 = arith.constant 0 : i32
    %dma_wait3A_77 = tpu.memref_slice %arg5[%dma_wait3A_75, %dma_wait3A_76] : memref<524288x128xf32, #tpu.memory_space<hbm>> -> memref<128x128xf32, #tpu.memory_space<hbm>>
    %dma_wait3A_78 = arith.constant 0 : i32
    %dma_wait3A_79 = arith.constant 0 : i32
    %dma_wait3A_80 = tpu.memref_slice %arg5[%dma_wait3A_78, %dma_wait3A_79] : memref<524288x128xf32, #tpu.memory_space<hbm>> -> memref<128x128xf32, #tpu.memory_space<hbm>>
    tpu.wait_dma2 semaphore(%arg20 : memref<!tpu.dma_semaphore, #tpu.memory_space<semaphore_mem>>) src(%arg10 : memref<128x128xf32, #tpu.memory_space<vmem>>) dst(%dma_wait3A_80 : memref<128x128xf32, #tpu.memory_space<hbm>>)
    %dma_wait3A_81 = arith.constant 0 : i32
    %dma_wait3A_82 = arith.constant 0 : i32
    %dma_wait3A_83 = tpu.memref_slice %arg5[%dma_wait3A_81, %dma_wait3A_82] : memref<524288x128xf32, #tpu.memory_space<hbm>> -> memref<128x128xf32, #tpu.memory_space<hbm>>
    %dma_wait3A_84 = arith.constant 0 : i32
    %dma_wait3A_85 = arith.constant 0 : i32
    %dma_wait3A_86 = tpu.memref_slice %arg5[%dma_wait3A_84, %dma_wait3A_85] : memref<524288x128xf32, #tpu.memory_space<hbm>> -> memref<128x128xf32, #tpu.memory_space<hbm>>
    tpu.wait_dma2 semaphore(%arg21 : memref<!tpu.dma_semaphore, #tpu.memory_space<semaphore_mem>>) src(%arg11 : memref<128x128xf32, #tpu.memory_space<vmem>>) dst(%dma_wait3A_86 : memref<128x128xf32, #tpu.memory_space<hbm>>)
    %dma_wait3A_87 = arith.constant 0 : i32
    %dma_wait3A_88 = arith.constant 0 : i32
    %dma_wait3A_89 = tpu.memref_slice %arg5[%dma_wait3A_87, %dma_wait3A_88] : memref<524288x128xf32, #tpu.memory_space<hbm>> -> memref<128x128xf32, #tpu.memory_space<hbm>>
    %dma_wait3A_90 = arith.constant 0 : i32
    %dma_wait3A_91 = arith.constant 0 : i32
    %dma_wait3A_92 = tpu.memref_slice %arg5[%dma_wait3A_90, %dma_wait3A_91] : memref<524288x128xf32, #tpu.memory_space<hbm>> -> memref<128x128xf32, #tpu.memory_space<hbm>>
    tpu.wait_dma2 semaphore(%arg22 : memref<!tpu.dma_semaphore, #tpu.memory_space<semaphore_mem>>) src(%arg12 : memref<128x128xf32, #tpu.memory_space<vmem>>) dst(%dma_wait3A_92 : memref<128x128xf32, #tpu.memory_space<hbm>>)
    return
  }
}

</mosaic_0001>

<sc_bundles>
// kernel: _emb.3.cloned.1.call-start
scs
__scs_entry_jumppad:
0x0: {  	(pc) =	sbr.rel $0x88, $3  }
0x1: {  	(tag) =	ssettag $0x0;
	lr =	simm.s32 $0x1  }
0x2: {  	[smem:$0x3F9E] =	sst lr;
	_ =	strace $0xD0000000  }
0x3: {  	_ = 	snop  }
0x4: {  	_ = 	snop  }
0x5: {  	_ = 	snop  }
0x6: {  	_ = 	snop  }
0x7: {  	_ = 	snop  }
__scs_overlays_trampoline_lowered:
0x8: {  	[smem:$0x3FAD] =	sst s0  }
0x9: {  	[smem:$0x3FAE] =	sst s1  }
0xa: {  	[smem:$0x3FAF] =	sst s2  }
0xb: {  	[smem:$0x3FB0] =	sst s3  }
0xc: {  	[smem:$0x3FB1] =	sst s4  }
0xd: {  	[smem:$0x3FB2] =	sst s5  }
0xe: {  	[smem:$0x3FB3] =	sst s6  }
0xf: {  	[smem:$0x3FB4] =	sst s7  }
0x10: {  	[smem:$0x3FB5] =	sst s8  }
0x11: {  	[smem:$0x3FB6] =	sst s9;
	s0 =	simm.s32 @!p0 $0x0  }
0x12: {  	s1 =	sld [smem:$0x3F9C];
	s0 =	simm.s32 @p0 $0x1  }
0x13: {  	[smem:$0x3FB7] =	sst s0;
	s0 =	simm.s32 @!p1 $0x0  }
0x14: {  	s2 =	sld [smem:$0x3F9B];
	s0 =	simm.s32 @p1 $0x1  }
0x15: {  	[smem:$0x3FB8] =	sst s0;
	s0 =	simm.s32 @!p2 $0x0  }
0x16: {  	s3 =	sld [smem:$0x3FDB];
	s0 =	simm.s32 @p2 $0x1  }
0x17: {  	s4 =	simm.s32 $0x1BF5;
	[smem:$0x3FBA] =	sst s0  }
0x18: {  	s0 =	sld [smem:$0x3F9D];
	_ =	swait.ge [sflag:s4], $0x0  }
0x19: {  	s7 =	sld [smem:$0x3F9E]  }
0x1a: {  	s8 =	sadd.s32 $0xFFFFE003, lr  }
0x1b: {  	s9 =	sadd.s32 $0xFFFFFEF7, lr;
	s5 =	simm.s32 $0xFFFFFFFF;
	p2 =	slt.u32 s8, $0xFFFFF086  }
0x1c: {  	p1 =	slt.u32 s9, $0xF7A;
	s5 =	simm.s32 @!p2 $0x0  }
0x1d: {  	s5 =	simm.s32 @p1 $0x1;
	p0 =	seq.s32 s7, s2  }
0x1e: {  	s7 =	smul.u32 @!p0 $0xF7A, s2;
	p2 =	seq.s32 @!p0 s5, $0x0  }
0x1f: {  	s9 =	smul.u32 $0xF7A, s1;
	s8 =	simm.s32 @!p0 $0x1BF5;
	p2 =	por !p2, p0  }
0x20: {  	[sflag:s8] =	ssyncset.s32 @!p0 $0xFFFFF086;
	s6 =	sadd.s32 @!p0 s3, s7;
	s7 =	simm.s32 @!p0 $0x108  }
0x21: {  	s3 =	sadd.s32 s3, s9;
	s6 =	sadd.s32 @!p0 $0x88, s6;
	s7 =	simm.s32 @p2 $0x1082  }
0x22: {  	[simem:s7], [sflag:s8] =	dma.local @!p0 [hbm:s6], $0xF7A  }
0x23: {  	s9 =	sor.u32 $0xD0000000, s2;
	s6 =	simm.s32 $0x108;
	_ =	swait.ge @!p0 [sflag:s8], $0x0  }
0x24: {  	s3 =	sadd.s32 $0x88, s3;
	s6 =	simm.s32 @!p1 $0x1082;
	[sflag:s4] =	ssyncset.s32 $0xFFFFF086  }
0x25: {  	[simem:s6], [sflag:s4] =	dma.local [hbm:s3], $0xF7A  }
0x26: {  	[smem:$0x3F9E] =	sst s1;
	(tag) =	ssettag s2;
	_ =	strace s9  }
0x27: {  	s1 =	sld [smem:$0x3FAE]  }
0x28: {  	s2 =	sld [smem:$0x3FAF]  }
0x29: {  	s4 =	sld [smem:$0x3FB1]  }
0x2a: {  	p0 =	seq.s32 s5, $0x0;
	s5 =	sld [smem:$0x3FB2]  }
0x2b: {  	s6 =	sld [smem:$0x3FB3]  }
0x2c: {  	s7 =	sld [smem:$0x3FB4]  }
0x2d: {  	s3 =	simm.s32 $0x108;
	s8 =	sld [smem:$0x3FB5]  }
0x2e: {  	s3 =	simm.s32 @!p0 $0x1082;
	s9 =	sld [smem:$0x3FB6]  }
0x2f: {  	lr =	sadd.s32 s0, s3;
	s0 =	sld [smem:$0x3FAD]  }
0x30: {  	s3 =	sld [smem:$0x3FB0]  }
0x31: {  	[smem:$0x3FB9] =	sst s10  }
0x32: {  	s10 =	sld [smem:$0x3FB7];
	_ =	sdelay $0x3  }
0x33: {  	p0 =	seq.s32 s10, $0x1;
	s10 =	sld [smem:$0x3FB9];
	_ =	sdelay $0x3  }
0x34: {  	[smem:$0x3FB9] =	sst s10  }
0x35: {  	s10 =	sld [smem:$0x3FB8];
	_ =	sdelay $0x3  }
0x36: {  	p1 =	seq.s32 s10, $0x1;
	s10 =	sld [smem:$0x3FB9];
	_ =	sdelay $0x3  }
0x37: {  	[smem:$0x3FB9] =	sst s10  }
0x38: {  	s10 =	sld [smem:$0x3FBA]  }
0x39: {  	_ = 	snop;
	(pc) =	sbr.ind lr, $3  }
0x3a: {  	_ = 	snop  }
0x3b: {  	_ = 	snop  }
0x3c: {  	p2 =	seq.s32 s10, $0x1;
	s10 =	sld [smem:$0x3FB9]  }
0x3d: {  	_ =	shalt  }
0x3e: {  	_ =	shalt  }
0x3f: {  	_ =	shalt  }
0x40: {  	_ =	shalt  }
0x41: {  	_ =	shalt  }
0x42: {  	_ =	shalt  }
0x43: {  	_ =	shalt  }
0x44: {  	_ =	shalt  }
0x45: {  	_ =	shalt  }
0x46: {  	_ =	shalt  }
0x47: {  	_ =	shalt  }
0x48: {  	_ =	shalt  }
0x49: {  	_ =	shalt  }
0x4a: {  	_ =	shalt  }
0x4b: {  	_ =	shalt  }
0x4c: {  	_ =	shalt  }
0x4d: {  	_ =	shalt  }
0x4e: {  	_ =	shalt  }
0x4f: {  	_ =	shalt  }
0x50: {  	_ =	shalt  }
0x51: {  	_ =	shalt  }
0x52: {  	_ =	shalt  }
0x53: {  	_ =	shalt  }
0x54: {  	_ =	shalt  }
0x55: {  	_ =	shalt  }
0x56: {  	_ =	shalt  }
0x57: {  	_ =	shalt  }
0x58: {  	_ =	shalt  }
0x59: {  	_ =	shalt  }
0x5a: {  	_ =	shalt  }
0x5b: {  	_ =	shalt  }
0x5c: {  	_ =	shalt  }
0x5d: {  	_ =	shalt  }
0x5e: {  	_ =	shalt  }
0x5f: {  	_ =	shalt  }
0x60: {  	_ =	shalt  }
0x61: {  	_ =	shalt  }
0x62: {  	_ =	shalt  }
0x63: {  	_ =	shalt  }
0x64: {  	_ =	shalt  }
0x65: {  	_ =	shalt  }
0x66: {  	_ =	shalt  }
0x67: {  	_ =	shalt  }
0x68: {  	_ =	shalt  }
0x69: {  	_ =	shalt  }
0x6a: {  	_ =	shalt  }
0x6b: {  	_ =	shalt  }
0x6c: {  	_ =	shalt  }
0x6d: {  	_ =	shalt  }
0x6e: {  	_ =	shalt  }
0x6f: {  	_ =	shalt  }
0x70: {  	_ =	shalt  }
0x71: {  	_ =	shalt  }
0x72: {  	_ =	shalt  }
0x73: {  	_ =	shalt  }
0x74: {  	_ =	shalt  }
0x75: {  	_ =	shalt  }
0x76: {  	_ =	shalt  }
0x77: {  	_ =	shalt  }
0x78: {  	_ =	shalt  }
0x79: {  	_ =	shalt  }
0x7a: {  	_ =	shalt  }
0x7b: {  	_ =	shalt  }
0x7c: {  	_ =	shalt  }
0x7d: {  	_ =	shalt  }
0x7e: {  	_ =	shalt  }
0x7f: {  	_ =	shalt  }
0x80: {  	_ =	shalt  }
0x81: {  	_ =	shalt  }
0x82: {  	_ =	shalt  }
0x83: {  	_ =	shalt  }
0x84: {  	_ =	shalt  }
0x85: {  	_ =	shalt  }
0x86: {  	_ =	shalt  }
0x87: {  	_ =	shalt  }
.Lfunc_end0:
.L_simem_size_0:
called_computation_lowered:
.L_overlay_start_0:
0x88: {  	s2 =	sld [smem:$0x3FD9]  }
0x89: {  	s3 =	sld [smem:$0x3FFE];
	_ =	sdelay $0x1  }
0x8a: {  	s1 =	srdreg.scid  }
0x8b: {  	s0 =	sand.u32 $0x1, s1  }
0x8c: {  	s18 =	sshll.u32 s0, $0xA;
	s2 =	sadd.s32 s3, s2  }
0x8d: {  	s2 =	sadd.s32 s2, s18  }
0x8e: {  	[smem:$0x3FC5] =	sst s2  }
0x8f: {  	_ = 	snop  }
0x90: {  	s2 =	sld [smem:$0x3FC9]  }
0x91: {  	s19 =	sld [smem:$0x3FC8]  }
0x92: {  	s4 =	sld [smem:$0x3FC7]  }
0x93: {  	s5 =	sld [smem:$0x3FD0];
	(tm) =	ssettm $0x1  }
0x94: {  	s6 =	sld [smem:$0x3FFB];
	_ =	sdelay $0x3  }
0x95: {  	_ =	strace s6  }
0x96: {  	s6 =	sld [smem:$0x3FFC];
	_ =	sdelay $0x3  }
0x97: {  	_ =	strace s6  }
0x98: {  	s6 =	sld [smem:$0x3FFD];
	_ =	sdelay $0x3  }
0x99: {  	_ =	strace s6  }
0x9a: {  	_ =	strace $0x8FFFFFFF  }
0x9b: {  	s20 =	sld [smem:$0x3FDB];
	_ =	sdelay $0x1  }
0x9c: {  	s7 =	simm.s32 $_scs_section_size  }
0x9d: {  	s8 =	simm.s32 $_size__tile_overlayer_lowered;
	s9 =	simm.s32 $_tile_overlayer_lowered  }
0x9e: {  	s23 =	simm.s32 $0x1BFF;
	s22 =	sshll.u32 s9, $0x1;
	s6 =	sadd.s32 s7, s20  }
0x9f: {  	s10 =	simm.s32 $0x0;
	s21 =	sshll.u32 s8, $0x1;
	s8 =	sadd.s32 s22, s6  }
0xa0: {  	[timem:s10], [sflag:s23] =	dma.local [hbm:s8], s21  }
0xa1: {  	_ =	swait.ge [sflag:s23], s21  }
0xa2: {  	s7 =	ssub.s32 $0x0, s21;
	[sflag:s23] =	ssyncset.done $0x0  }
0xa3: {  	[sflag:s23] =	ssyncadd.s32 s7;
	_ =	sdelay $0x1  }
0xa4: {  	s24 =	simm.s32 $0x1B8B  }
0xa5: {  	_ =	swait.ge [sflag:s24], $0x1  }
0xa6: {  	[sflag:s24] =	ssyncset.done $0x0  }
0xa7: {  	s25 =	simm.s32 $0x1B8E;
	[sflag:s24] =	ssyncadd.s32 $0xFFFFFFFF  }
0xa8: {  	s26 =	simm.s32 $execute0_lowered;
	[smem:$0x3FD2] =	sst s25  }
0xa9: {  	s7 =	sshll.u32 s26, $0x1;
	_ =	strace $0x80000046;
	[dreg:$0x1] =	wrdreg $0xFFFFFFFF  }
0xaa: {  	s28 =	simm.s32 $_size_execute0_lowered;
	s6 =	sadd.s32 s6, s7;
	[dreg:$0x0] =	wrdreg $0x0  }
0xab: {  	s7 =	sshll.u32 s28, $0x1;
	[dreg:$0x2] =	wrdreg s6  }
0xac: {  	[dreg:$0x3] =	wrdreg s7  }
0xad: {  	[dreg:$0x4] =	wrdreg $0xC0  }
0xae: {  	_ =	task [dreg:s10], $0x5FFFF  }
0xaf: {  	[dreg:$0x1] =	wrdreg $0xFFFFFFFF  }
0xb0: {  	[dreg:$0x0] =	wrdreg $0x60  }
0xb1: {  	[dreg:$0x2] =	wrdreg s2  }
0xb2: {  	[dreg:$0x3] =	wrdreg s19  }
0xb3: {  	[dreg:$0x4] =	wrdreg s4  }
0xb4: {  	[dreg:$0x5] =	wrdreg s5  }
0xb5: {  	[dreg:$0x6] =	wrdreg $0x9  }
0xb6: {  	_ =	task.clear_ibuf [dreg:s10], $0x7FFFF;
	_ =	strace $0x90000046  }
0xb7: {  	s29 =	simm.s32 $0x9;
	_ =	strace $0x80000048  }
0xb8: {  	_ =	swait.ge [sflag:s29], $0x1  }
0xb9: {  	[sflag:s29] =	ssyncadd.s32 $0xFFFFFFFF  }
0xba: {  	_ =	strace $0x90000048  }
0xbb: {  	_ =	sfence  }
0xbc: {  	s30 =	sld [smem:$0x0];
	_ =	sdelay $0x2  }
0xbd: {  	s31 =	sshll.u32 s1, $0xD;
	s1 =	sshrl.u32 s1, $0x2  }
0xbe: {  	s3 =	sand.u32 $0x4000, s31;
	s1 =	sadd.s32 s1, s30  }
0xbf: {  	s0 =	sor.u32 s3, s0;
	s1 =	sshll.u32 s1, $0x11  }
0xc0: {  	s0 =	sor.u32 s1, s0  }
0xc1: {  	s0 =	sadd.s32 $0x8F2B, s0  }
0xc2: {  	[sflag:s0] =	ssyncadd.remote.s32 $0x1  }
0xc3: {  	_ =	sfence.sel $0xFFFF  }
0xc4: {  	[dreg:$0x0] =	wrdreg $0xFFFFFFFF;
	(pc) =	sbr.abs _section_cstart, $3  }
0xc5: {  	[dreg:$0x1] =	wrdreg $0xFFFFFFFF  }
0xc6: {  	_ =	task.clear_ibuf [dreg:s10], $0x2FFFF;
	_ =	strace $0x9FFFFFFF  }
0xc7: {  	(tm) =	ssettm $0x7FFFFFFF  }
tec
execute0_lowered:
.L_overlay_start_1:
0x0: {  	(tag) =	ssettag $0x1  }
0x1: {  	s1 =	rddreg [dreg:$0x0]  }
0x2: {  	s0 =	rddreg [dreg:$0x1]  }
0x3: {  	s2 =	rddreg [dreg:$0x2]  }
0x4: {  	s4 =	rddreg [dreg:$0x3];
	s3 =	simm.s32 $0x0  }
0x5: {  	s5 =	srdreg.scid;
	s9 =	stileid.u32;
	s11 =	simm.s32 $0xB  }
0x6: {  	s15 =	simm.s32 $0x80;
	s16 =	simm.s32 $0x8000;
	s18 =	simm.s32 $0xC000  }
0x7: {  	s20 =	simm.s32 $0x10000;
	s21 =	simm.s32 $0x14000;
	s22 =	simm.s32 $0x1  }
0x8: {  	s23 =	simm.s32 $0x18000;
	s28 =	simm.s32 $0x7;
	s29 =	simm.s32 $0x8  }
0x9: {  	s30 =	simm.s32 $0x9;
	s31 =	simm.s32 $0xA;
	s12 =	simm.s32 $0x0  }
0xa: {  	[smem:$0x7FF] =	sst s3;
	s5 =	sand.u32 $0x1, s5;
	s7 =	sshll.u32 s9, $0x1  }
0xb: {  	s9 =	sshrl.u32 s9, $0x1;
	_ =	strace $0x80000047;
	s6 =	ssub.s32 $0x2, s5  }
0xc: {  	s7 =	sand.u32 $0x2, s7;
	s24 =	sshll.u32 s9, $0xD;
	s8 =	sshrl.u32 s6, $0x1  }
0xd: {  	s5 =	sor.u32 s5, s7;
	s0 =	sadd.s32 s0, s24;
	s24 =	simm.s32 $0x2  }
0xe: {  	s6 =	ssub.s32 s6, s8;
	s25 =	sshll.u32 s5, $0x7;
	s10 =	sshll.u32 s5, $0xB  }
.Ltmp0:
0xf: {  	s5 =	sshll.u32 s9, $0x7;
	s2 =	sadd.s32 s2, s10;
	(pc) =	sbr.rel .LBB2_1-.Ltmp0, $4  }
0x10: {  	s0 =	sadd.s32 s25, s0;
	s7 =	sadd.s32 s4, s10;
	[dreg:$0x5] =	wrdreg s2  }
0x11: {  	s8 =	sor.u32 $0x1, s5;
	s26 =	smax.u32 s6, $0x1;
	[dreg:$0x6] =	wrdreg s0  }
0x12: {  	s9 =	sor.u32 $0x2, s5;
	s25 =	simm.s32 $0x3;
	[dreg:$0x7] =	wrdreg s26  }
0x13: {  	s26 =	simm.s32 $0x6;
	s0 =	simm.s32 $0x4;
	s2 =	simm.s32 $0x5  }
.LBB2_22:
0x14: {  	_ =	swait.ge [sflag:s26], $0x4000  }
0x15: {  	[sflag:s26] =	ssyncset.done $0x0  }
0x16: {  	[sflag:s26] =	ssyncadd.s32 $0xFFFFC000  }
0x17: {  	_ =	swait.ge [sflag:s28], $0x4000  }
0x18: {  	[sflag:s28] =	ssyncset.done $0x0  }
0x19: {  	[sflag:s28] =	ssyncadd.s32 $0xFFFFC000  }
0x1a: {  	_ =	swait.ge [sflag:s29], $0x4000  }
0x1b: {  	[sflag:s29] =	ssyncset.done $0x0  }
0x1c: {  	[sflag:s29] =	ssyncadd.s32 $0xFFFFC000  }
0x1d: {  	_ =	swait.ge [sflag:s30], $0x4000  }
0x1e: {  	[sflag:s30] =	ssyncset.done $0x0  }
0x1f: {  	[sflag:s30] =	ssyncadd.s32 $0xFFFFC000  }
0x20: {  	_ =	swait.ge [sflag:s31], $0x4000  }
0x21: {  	s12 =	sadd.s32 $0x1, s12;
	s4 =	rddreg [dreg:$0x7]  }
0x22: {  	p0 =	sne.s32 s12, s4  }
.Ltmp1:
0x23: {  	_ = 	snop;
	(pc) =	sbr.rel @!p0 .LBB2_23-.Ltmp1, $3  }
0x24: {  	_ =	sdelay $0x1  }
0x25: {  	[sflag:s31] =	ssyncset.done $0x0  }
0x26: {  	[sflag:s31] =	ssyncadd.s32 $0xFFFFC000  }
.LBB2_1:
0x27: {  	s4 =	rddreg [dreg:$0x5]  }
0x28: {  	[tilespmem:s3], [sflag:$0xB] =	stream.linear.gather [hbm4b:s4+s3], $0x4000, $0x38;
	[tilespmem:$0x1C000] =	vst v63  }
0x29: {  	_ =	swait.ge [sflag:s11], $0x4000  }
0x2a: {  	s6 =	simm.s32 $0x400;
	s10 =	simm.s32 $0x1000;
	[sflag:s11] =	ssyncset.done $0x0  }
0x2b: {  	s13 =	simm.s32 $0x4000;
	s14 =	rddreg [dreg:$0x6];
	[sflag:s11] =	ssyncadd.s32 $0xFFFFC000  }
0x2c: {  	[tilespmem:s13], [sflag:$0xB] =	stream.strided.gather [hbm4b:s14+s6], $0x4000, s10, s6, $0x38;
	[tilespmem:$0x1C000] =	vst v63  }
0x2d: {  	_ =	swait.ge [sflag:s11], $0x4000  }
0x2e: {  	[sflag:s11] =	ssyncset.done $0x0  }
0x2f: {  	[sflag:s11] =	ssyncadd.s32 $0xFFFFC000  }
0x30: {  	[tilespmem:s16], [sflag:$0x1] =	stream.indirect.gather [hbm4b:s1+s15], $0x80, s13, s15, $0xb8;
	[tilespmem:$0x1C000] =	vst v63  }
0x31: {  	s17 =	simm.s32 $0x4080  }
0x32: {  	[tilespmem:s18], [sflag:$0x2] =	stream.indirect.gather [hbm4b:s1+s15], $0x80, s17, s15, $0xb8;
	[tilespmem:$0x1C000] =	vst v63  }
0x33: {  	s19 =	simm.s32 $0x4100;
	s13 =	simm.s32 $0x0  }
0x34: {  	[tilespmem:s20], [sflag:$0x3] =	stream.indirect.gather [hbm4b:s1+s15], $0x80, s19, s15, $0xb8;
	[tilespmem:$0x1C000] =	vst v63  }
.LBB2_2:
0x35: {  	p0 =	seq.s32 s13, $0x0  }
.Ltmp2:
0x36: {  	_ = 	snop;
	(pc) =	sbr.rel @p0 .LBB2_5-.Ltmp2, $3  }
0x37: {  	_ = 	snop  }
0x38: {  	s14 =	smul.u32 $0x5, s13;
	_ =	sdelay $0x1  }
0x39: {  	s17 =	sadd.s32 $0x3, s14  }
0x3a: {  	p1 =	seq.s32 s13, $0x19  }
.Ltmp3:
0x3b: {  	_ = 	snop;
	(pc) =	sbr.rel @p1 .LBB2_6-.Ltmp3, $1  }
0x3c: {  	_ =	sdelay $0x3  }
0x3d: {  	_ =	swait.ge [sflag:s30], $0x4000  }
0x3e: {  	[sflag:s30] =	ssyncset.done $0x0  }
0x3f: {  	[sflag:s30] =	ssyncadd.s32 $0xFFFFC000  }
.LBB2_5:
0x40: {  	s4 =	sshll.u32 s17, $0x7  }
0x41: {  	s4 =	sand.u32 $0x3FFFFF80, s4  }
0x42: {  	s4 =	sadd.s32 $0x4000, s4  }
0x43: {  	[tilespmem:s21], [sflag:$0x4] =	stream.indirect.gather [hbm4b:s1+s15], $0x80, s4, s15, $0xb8;
	[tilespmem:$0x1C000] =	vst v63  }
.LBB2_6:
0x44: {  	_ =	swait.ge [sflag:s22], $0x4000  }
0x45: {  	[sflag:s22] =	ssyncset.done $0x0  }
0x46: {  	s19 =	simm.s32 $0x0;
	[sflag:s22] =	ssyncadd.s32 $0xFFFFC000  }
0x47: {  	v0 =	vld [tilespmem:s19+$0x1F0]  }
0x48: {  	v1 =	vld [tilespmem:s19+$0x0]  }
0x49: {  	v2 =	vld [tilespmem:s19+$0x10]  }
0x4a: {  	v3 =	vld [tilespmem:s19+$0x20]  }
0x4b: {  	v4 =	vld [tilespmem:s19+$0x30]  }
0x4c: {  	v5 =	vld [tilespmem:s19+$0x40]  }
0x4d: {  	v6 =	vld [tilespmem:s19+$0x50]  }
0x4e: {  	v7 =	vld [tilespmem:s19+$0x60]  }
0x4f: {  	v8 =	vld [tilespmem:s19+$0x70]  }
0x50: {  	v9 =	vld [tilespmem:s19+$0x80]  }
0x51: {  	v10 =	vld [tilespmem:s19+$0x90]  }
0x52: {  	v11 =	vld [tilespmem:s19+$0xA0]  }
0x53: {  	v12 =	vld [tilespmem:s19+$0xB0]  }
0x54: {  	v13 =	vld [tilespmem:s19+$0xC0]  }
0x55: {  	v14 =	vld [tilespmem:s19+$0xD0]  }
0x56: {  	v15 =	vld [tilespmem:s19+$0xE0]  }
0x57: {  	v16 =	vld [tilespmem:s19+$0xF0]  }
0x58: {  	v17 =	vld [tilespmem:s19+$0x100]  }
0x59: {  	v18 =	vld [tilespmem:s19+$0x110]  }
0x5a: {  	v19 =	vld [tilespmem:s19+$0x120]  }
0x5b: {  	v20 =	vld [tilespmem:s19+$0x130]  }
0x5c: {  	v21 =	vld [tilespmem:s19+$0x140]  }
0x5d: {  	v22 =	vld [tilespmem:s19+$0x150]  }
0x5e: {  	v23 =	vld [tilespmem:s19+$0x160]  }
0x5f: {  	v24 =	vld [tilespmem:s19+$0x170]  }
0x60: {  	v25 =	vld [tilespmem:s19+$0x180]  }
0x61: {  	v26 =	vld [tilespmem:s19+$0x190]  }
0x62: {  	v27 =	vld [tilespmem:s19+$0x1A0]  }
0x63: {  	v28 =	vld [tilespmem:s19+$0x1B0]  }
0x64: {  	v29 =	vld [tilespmem:s19+$0x1C0]  }
0x65: {  	v30 =	vld [tilespmem:s19+$0x1D0]  }
0x66: {  	[tilespmem:s19+$0x81F0] =	vst.add.f32.msk $0xffff, v0  }
0x67: {  	v0 =	vld [tilespmem:s19+$0x1E0]  }
0x68: {  	[tilespmem:s19+$0x8000] =	vst.add.f32.msk $0xffff, v1  }
0x69: {  	[tilespmem:s19+$0x8010] =	vst.add.f32.msk $0xffff, v2  }
0x6a: {  	[tilespmem:s19+$0x8020] =	vst.add.f32.msk $0xffff, v3  }
0x6b: {  	[tilespmem:s19+$0x8030] =	vst.add.f32.msk $0xffff, v4  }
0x6c: {  	[tilespmem:s19+$0x8040] =	vst.add.f32.msk $0xffff, v5  }
0x6d: {  	[tilespmem:s19+$0x8050] =	vst.add.f32.msk $0xffff, v6  }
0x6e: {  	[tilespmem:s19+$0x8060] =	vst.add.f32.msk $0xffff, v7  }
0x6f: {  	[tilespmem:s19+$0x8070] =	vst.add.f32.msk $0xffff, v8  }
0x70: {  	[tilespmem:s19+$0x8080] =	vst.add.f32.msk $0xffff, v9  }
0x71: {  	[tilespmem:s19+$0x8090] =	vst.add.f32.msk $0xffff, v10  }
0x72: {  	[tilespmem:s19+$0x80A0] =	vst.add.f32.msk $0xffff, v11  }
0x73: {  	[tilespmem:s19+$0x80B0] =	vst.add.f32.msk $0xffff, v12  }
0x74: {  	[tilespmem:s19+$0x80C0] =	vst.add.f32.msk $0xffff, v13  }
0x75: {  	[tilespmem:s19+$0x80D0] =	vst.add.f32.msk $0xffff, v14  }
0x76: {  	[tilespmem:s19+$0x80E0] =	vst.add.f32.msk $0xffff, v15  }
0x77: {  	[tilespmem:s19+$0x80F0] =	vst.add.f32.msk $0xffff, v16  }
0x78: {  	[tilespmem:s19+$0x8100] =	vst.add.f32.msk $0xffff, v17  }
0x79: {  	[tilespmem:s19+$0x8110] =	vst.add.f32.msk $0xffff, v18  }
0x7a: {  	[tilespmem:s19+$0x8120] =	vst.add.f32.msk $0xffff, v19  }
0x7b: {  	[tilespmem:s19+$0x8130] =	vst.add.f32.msk $0xffff, v20  }
0x7c: {  	[tilespmem:s19+$0x8140] =	vst.add.f32.msk $0xffff, v21  }
0x7d: {  	[tilespmem:s19+$0x8150] =	vst.add.f32.msk $0xffff, v22  }
0x7e: {  	[tilespmem:s19+$0x8160] =	vst.add.f32.msk $0xffff, v23  }
0x7f: {  	[tilespmem:s19+$0x8170] =	vst.add.f32.msk $0xffff, v24  }
0x80: {  	[tilespmem:s19+$0x8180] =	vst.add.f32.msk $0xffff, v25  }
0x81: {  	[tilespmem:s19+$0x8190] =	vst.add.f32.msk $0xffff, v26  }
0x82: {  	[tilespmem:s19+$0x81A0] =	vst.add.f32.msk $0xffff, v27  }
0x83: {  	[tilespmem:s19+$0x81B0] =	vst.add.f32.msk $0xffff, v28  }
0x84: {  	[tilespmem:s19+$0x81C0] =	vst.add.f32.msk $0xffff, v29  }
0x85: {  	s4 =	simm.s32 $0x0;
	s6 =	simm.s32 $0x800;
	[tilespmem:s19+$0x81D0] =	vst.add.f32.msk $0xffff, v30  }
.LBB2_7:
0x86: {  	s4 =	sadd.s32 $0x4, s4;
	[tilespmem:s19+$0x81E0] =	vst.add.f32.msk $0xffff, v0;
	s19 =	sshra.s32 s6, $0x2  }
0x87: {  	v0 =	vld [tilespmem:s19+$0x1F0];
	p1 =	slt.u32 s4, $0x7C  }
0x88: {  	v1 =	vld [tilespmem:s19+$0x0]  }
0x89: {  	v2 =	vld [tilespmem:s19+$0x10]  }
0x8a: {  	v3 =	vld [tilespmem:s19+$0x20]  }
0x8b: {  	v4 =	vld [tilespmem:s19+$0x30]  }
0x8c: {  	[tilespmem:s19+$0x81F0] =	vst.add.f32.msk $0xffff, v0  }
0x8d: {  	v5 =	vld [tilespmem:s19+$0x40]  }
0x8e: {  	v6 =	vld [tilespmem:s19+$0x50]  }
0x8f: {  	v7 =	vld [tilespmem:s19+$0x60]  }
0x90: {  	v8 =	vld [tilespmem:s19+$0x70]  }
0x91: {  	v9 =	vld [tilespmem:s19+$0x80]  }
0x92: {  	v10 =	vld [tilespmem:s19+$0x90]  }
0x93: {  	v11 =	vld [tilespmem:s19+$0xA0]  }
0x94: {  	v12 =	vld [tilespmem:s19+$0xB0]  }
0x95: {  	v13 =	vld [tilespmem:s19+$0xC0]  }
0x96: {  	v14 =	vld [tilespmem:s19+$0xD0]  }
0x97: {  	v15 =	vld [tilespmem:s19+$0xE0]  }
0x98: {  	v16 =	vld [tilespmem:s19+$0xF0]  }
0x99: {  	v17 =	vld [tilespmem:s19+$0x100]  }
0x9a: {  	v18 =	vld [tilespmem:s19+$0x110]  }
0x9b: {  	v19 =	vld [tilespmem:s19+$0x120]  }
0x9c: {  	v20 =	vld [tilespmem:s19+$0x130]  }
0x9d: {  	v21 =	vld [tilespmem:s19+$0x140]  }
0x9e: {  	v22 =	vld [tilespmem:s19+$0x150]  }
0x9f: {  	v23 =	vld [tilespmem:s19+$0x160]  }
0xa0: {  	v24 =	vld [tilespmem:s19+$0x170]  }
0xa1: {  	v25 =	vld [tilespmem:s19+$0x180]  }
0xa2: {  	v26 =	vld [tilespmem:s19+$0x190]  }
0xa3: {  	v27 =	vld [tilespmem:s19+$0x1A0]  }
0xa4: {  	v28 =	vld [tilespmem:s19+$0x1B0]  }
0xa5: {  	v29 =	vld [tilespmem:s19+$0x1C0]  }
0xa6: {  	v30 =	vld [tilespmem:s19+$0x1D0]  }
0xa7: {  	v0 =	vld [tilespmem:s19+$0x1E0]  }
0xa8: {  	[tilespmem:s19+$0x8000] =	vst.add.f32.msk $0xffff, v1  }
0xa9: {  	[tilespmem:s19+$0x8010] =	vst.add.f32.msk $0xffff, v2  }
0xaa: {  	[tilespmem:s19+$0x8020] =	vst.add.f32.msk $0xffff, v3  }
0xab: {  	[tilespmem:s19+$0x8030] =	vst.add.f32.msk $0xffff, v4  }
0xac: {  	[tilespmem:s19+$0x8040] =	vst.add.f32.msk $0xffff, v5  }
0xad: {  	[tilespmem:s19+$0x8050] =	vst.add.f32.msk $0xffff, v6  }
0xae: {  	[tilespmem:s19+$0x8060] =	vst.add.f32.msk $0xffff, v7  }
0xaf: {  	[tilespmem:s19+$0x8070] =	vst.add.f32.msk $0xffff, v8  }
0xb0: {  	[tilespmem:s19+$0x8080] =	vst.add.f32.msk $0xffff, v9  }
0xb1: {  	[tilespmem:s19+$0x8090] =	vst.add.f32.msk $0xffff, v10  }
0xb2: {  	[tilespmem:s19+$0x80A0] =	vst.add.f32.msk $0xffff, v11  }
0xb3: {  	[tilespmem:s19+$0x80B0] =	vst.add.f32.msk $0xffff, v12  }
0xb4: {  	[tilespmem:s19+$0x80C0] =	vst.add.f32.msk $0xffff, v13  }
0xb5: {  	[tilespmem:s19+$0x80D0] =	vst.add.f32.msk $0xffff, v14  }
0xb6: {  	[tilespmem:s19+$0x80E0] =	vst.add.f32.msk $0xffff, v15  }
0xb7: {  	[tilespmem:s19+$0x80F0] =	vst.add.f32.msk $0xffff, v16  }
0xb8: {  	[tilespmem:s19+$0x8100] =	vst.add.f32.msk $0xffff, v17  }
0xb9: {  	[tilespmem:s19+$0x8110] =	vst.add.f32.msk $0xffff, v18  }
0xba: {  	[tilespmem:s19+$0x8120] =	vst.add.f32.msk $0xffff, v19  }
0xbb: {  	[tilespmem:s19+$0x8130] =	vst.add.f32.msk $0xffff, v20  }
0xbc: {  	[tilespmem:s19+$0x8140] =	vst.add.f32.msk $0xffff, v21  }
0xbd: {  	[tilespmem:s19+$0x8150] =	vst.add.f32.msk $0xffff, v22  }
0xbe: {  	[tilespmem:s19+$0x8160] =	vst.add.f32.msk $0xffff, v23  }
0xbf: {  	[tilespmem:s19+$0x8170] =	vst.add.f32.msk $0xffff, v24  }
0xc0: {  	[tilespmem:s19+$0x8180] =	vst.add.f32.msk $0xffff, v25  }
.Ltmp4:
0xc1: {  	[tilespmem:s19+$0x8190] =	vst.add.f32.msk $0xffff, v26;
	(pc) =	sbr.rel @p1 .LBB2_7-.Ltmp4, $4  }
0xc2: {  	[tilespmem:s19+$0x81A0] =	vst.add.f32.msk $0xffff, v27  }
0xc3: {  	[tilespmem:s19+$0x81B0] =	vst.add.f32.msk $0xffff, v28  }
0xc4: {  	[tilespmem:s19+$0x81C0] =	vst.add.f32.msk $0xffff, v29  }
0xc5: {  	s6 =	sadd.s32 $0x800, s6;
	[tilespmem:s19+$0x81D0] =	vst.add.f32.msk $0xffff, v30  }
.Ltmp5:
0xc6: {  	(pc) =	sbr.rel @p0 .LBB2_11-.Ltmp5, $4  }
0xc7: {  	s4 =	sadd.s32 s5, s14  }
0xc8: {  	s4 =	sshll.u32 s4, $0xD  }
0xc9: {  	[tilespmem:s19+$0x81E0] =	vst.add.f32.msk $0xffff, v0;
	s19 =	sadd.s32 $0x4, s14;
	s4 =	sadd.s32 s4, s7  }
0xca: {  	[hbm4b:s4+s3] =	stream.linear.scatter [tilespmem:s16], [sflag:$0x6], $0x4000, $0x38;
	[tilespmem:$0x1C000] =	vst v63  }
0xcb: {  	p0 =	seq.s32 s13, $0x19  }
.Ltmp6:
0xcc: {  	_ = 	snop;
	(pc) =	sbr.rel @p0 .LBB2_12-.Ltmp6, $1  }
0xcd: {  	_ =	sdelay $0x3  }
0xce: {  	_ =	swait.ge [sflag:s31], $0x4000  }
0xcf: {  	[sflag:s31] =	ssyncset.done $0x0  }
0xd0: {  	[sflag:s31] =	ssyncadd.s32 $0xFFFFC000  }
.LBB2_11:
0xd1: {  	s4 =	sshll.u32 s19, $0x7  }
0xd2: {  	s4 =	sand.u32 $0x3FFFFF80, s4  }
0xd3: {  	s4 =	sadd.s32 $0x4000, s4  }
0xd4: {  	[tilespmem:s23], [sflag:$0x5] =	stream.indirect.gather [hbm4b:s1+s15], $0x80, s4, s15, $0xb8;
	[tilespmem:$0x1C000] =	vst v63  }
.LBB2_12:
0xd5: {  	_ =	swait.ge [sflag:s24], $0x4000  }
0xd6: {  	[sflag:s24] =	ssyncset.done $0x0  }
0xd7: {  	s4 =	simm.s32 $0x0;
	[sflag:s24] =	ssyncadd.s32 $0xFFFFC000  }
0xd8: {  	v0 =	vld [tilespmem:s4+$0x1F0]  }
0xd9: {  	v1 =	vld [tilespmem:s4+$0x0]  }
0xda: {  	v2 =	vld [tilespmem:s4+$0x10]  }
0xdb: {  	v3 =	vld [tilespmem:s4+$0x20]  }
0xdc: {  	v4 =	vld [tilespmem:s4+$0x30]  }
0xdd: {  	v5 =	vld [tilespmem:s4+$0x40]  }
0xde: {  	v6 =	vld [tilespmem:s4+$0x50]  }
0xdf: {  	v7 =	vld [tilespmem:s4+$0x60]  }
0xe0: {  	v8 =	vld [tilespmem:s4+$0x70]  }
0xe1: {  	v9 =	vld [tilespmem:s4+$0x80]  }
0xe2: {  	v10 =	vld [tilespmem:s4+$0x90]  }
0xe3: {  	v11 =	vld [tilespmem:s4+$0xA0]  }
0xe4: {  	v12 =	vld [tilespmem:s4+$0xB0]  }
0xe5: {  	v13 =	vld [tilespmem:s4+$0xC0]  }
0xe6: {  	v14 =	vld [tilespmem:s4+$0xD0]  }
0xe7: {  	v15 =	vld [tilespmem:s4+$0xE0]  }
0xe8: {  	v16 =	vld [tilespmem:s4+$0xF0]  }
0xe9: {  	v17 =	vld [tilespmem:s4+$0x100]  }
0xea: {  	v18 =	vld [tilespmem:s4+$0x110]  }
0xeb: {  	v19 =	vld [tilespmem:s4+$0x120]  }
0xec: {  	v20 =	vld [tilespmem:s4+$0x130]  }
0xed: {  	v21 =	vld [tilespmem:s4+$0x140]  }
0xee: {  	v22 =	vld [tilespmem:s4+$0x150]  }
0xef: {  	v23 =	vld [tilespmem:s4+$0x160]  }
0xf0: {  	v24 =	vld [tilespmem:s4+$0x170]  }
0xf1: {  	v25 =	vld [tilespmem:s4+$0x180]  }
0xf2: {  	v26 =	vld [tilespmem:s4+$0x190]  }
0xf3: {  	v27 =	vld [tilespmem:s4+$0x1A0]  }
0xf4: {  	v28 =	vld [tilespmem:s4+$0x1B0]  }
0xf5: {  	v29 =	vld [tilespmem:s4+$0x1C0]  }
0xf6: {  	v30 =	vld [tilespmem:s4+$0x1D0]  }
0xf7: {  	[tilespmem:s4+$0xC1F0] =	vst.add.f32.msk $0xffff, v0  }
0xf8: {  	v0 =	vld [tilespmem:s4+$0x1E0]  }
0xf9: {  	[tilespmem:s4+$0xC000] =	vst.add.f32.msk $0xffff, v1  }
0xfa: {  	[tilespmem:s4+$0xC010] =	vst.add.f32.msk $0xffff, v2  }
0xfb: {  	[tilespmem:s4+$0xC020] =	vst.add.f32.msk $0xffff, v3  }
0xfc: {  	[tilespmem:s4+$0xC030] =	vst.add.f32.msk $0xffff, v4  }
0xfd: {  	[tilespmem:s4+$0xC040] =	vst.add.f32.msk $0xffff, v5  }
0xfe: {  	[tilespmem:s4+$0xC050] =	vst.add.f32.msk $0xffff, v6  }
0xff: {  	[tilespmem:s4+$0xC060] =	vst.add.f32.msk $0xffff, v7  }
0x100: {  	[tilespmem:s4+$0xC070] =	vst.add.f32.msk $0xffff, v8  }
0x101: {  	[tilespmem:s4+$0xC080] =	vst.add.f32.msk $0xffff, v9  }
0x102: {  	[tilespmem:s4+$0xC090] =	vst.add.f32.msk $0xffff, v10  }
0x103: {  	[tilespmem:s4+$0xC0A0] =	vst.add.f32.msk $0xffff, v11  }
0x104: {  	[tilespmem:s4+$0xC0B0] =	vst.add.f32.msk $0xffff, v12  }
0x105: {  	[tilespmem:s4+$0xC0C0] =	vst.add.f32.msk $0xffff, v13  }
0x106: {  	[tilespmem:s4+$0xC0D0] =	vst.add.f32.msk $0xffff, v14  }
0x107: {  	[tilespmem:s4+$0xC0E0] =	vst.add.f32.msk $0xffff, v15  }
0x108: {  	[tilespmem:s4+$0xC0F0] =	vst.add.f32.msk $0xffff, v16  }
0x109: {  	[tilespmem:s4+$0xC100] =	vst.add.f32.msk $0xffff, v17  }
0x10a: {  	[tilespmem:s4+$0xC110] =	vst.add.f32.msk $0xffff, v18  }
0x10b: {  	[tilespmem:s4+$0xC120] =	vst.add.f32.msk $0xffff, v19  }
0x10c: {  	[tilespmem:s4+$0xC130] =	vst.add.f32.msk $0xffff, v20  }
0x10d: {  	[tilespmem:s4+$0xC140] =	vst.add.f32.msk $0xffff, v21  }
0x10e: {  	[tilespmem:s4+$0xC150] =	vst.add.f32.msk $0xffff, v22  }
0x10f: {  	[tilespmem:s4+$0xC160] =	vst.add.f32.msk $0xffff, v23  }
0x110: {  	[tilespmem:s4+$0xC170] =	vst.add.f32.msk $0xffff, v24  }
0x111: {  	[tilespmem:s4+$0xC180] =	vst.add.f32.msk $0xffff, v25  }
0x112: {  	[tilespmem:s4+$0xC190] =	vst.add.f32.msk $0xffff, v26  }
0x113: {  	[tilespmem:s4+$0xC1A0] =	vst.add.f32.msk $0xffff, v27  }
0x114: {  	[tilespmem:s4+$0xC1B0] =	vst.add.f32.msk $0xffff, v28  }
0x115: {  	[tilespmem:s4+$0xC1C0] =	vst.add.f32.msk $0xffff, v29  }
0x116: {  	s6 =	simm.s32 $0x0;
	s10 =	simm.s32 $0x800;
	[tilespmem:s4+$0xC1D0] =	vst.add.f32.msk $0xffff, v30  }
.LBB2_13:
0x117: {  	s6 =	sadd.s32 $0x4, s6;
	[tilespmem:s4+$0xC1E0] =	vst.add.f32.msk $0xffff, v0;
	s4 =	sshra.s32 s10, $0x2  }
0x118: {  	v0 =	vld [tilespmem:s4+$0x1F0];
	p0 =	slt.u32 s6, $0x7C  }
0x119: {  	v1 =	vld [tilespmem:s4+$0x0]  }
0x11a: {  	v2 =	vld [tilespmem:s4+$0x10]  }
0x11b: {  	v3 =	vld [tilespmem:s4+$0x20]  }
0x11c: {  	v4 =	vld [tilespmem:s4+$0x30]  }
0x11d: {  	[tilespmem:s4+$0xC1F0] =	vst.add.f32.msk $0xffff, v0  }
0x11e: {  	v5 =	vld [tilespmem:s4+$0x40]  }
0x11f: {  	v6 =	vld [tilespmem:s4+$0x50]  }
0x120: {  	v7 =	vld [tilespmem:s4+$0x60]  }
0x121: {  	v8 =	vld [tilespmem:s4+$0x70]  }
0x122: {  	v9 =	vld [tilespmem:s4+$0x80]  }
0x123: {  	v10 =	vld [tilespmem:s4+$0x90]  }
0x124: {  	v11 =	vld [tilespmem:s4+$0xA0]  }
0x125: {  	v12 =	vld [tilespmem:s4+$0xB0]  }
0x126: {  	v13 =	vld [tilespmem:s4+$0xC0]  }
0x127: {  	v14 =	vld [tilespmem:s4+$0xD0]  }
0x128: {  	v15 =	vld [tilespmem:s4+$0xE0]  }
0x129: {  	v16 =	vld [tilespmem:s4+$0xF0]  }
0x12a: {  	v17 =	vld [tilespmem:s4+$0x100]  }
0x12b: {  	v18 =	vld [tilespmem:s4+$0x110]  }
0x12c: {  	v19 =	vld [tilespmem:s4+$0x120]  }
0x12d: {  	v20 =	vld [tilespmem:s4+$0x130]  }
0x12e: {  	v21 =	vld [tilespmem:s4+$0x140]  }
0x12f: {  	v22 =	vld [tilespmem:s4+$0x150]  }
0x130: {  	v23 =	vld [tilespmem:s4+$0x160]  }
0x131: {  	v24 =	vld [tilespmem:s4+$0x170]  }
0x132: {  	v25 =	vld [tilespmem:s4+$0x180]  }
0x133: {  	v26 =	vld [tilespmem:s4+$0x190]  }
0x134: {  	v27 =	vld [tilespmem:s4+$0x1A0]  }
0x135: {  	v28 =	vld [tilespmem:s4+$0x1B0]  }
0x136: {  	v29 =	vld [tilespmem:s4+$0x1C0]  }
0x137: {  	v30 =	vld [tilespmem:s4+$0x1D0]  }
0x138: {  	v0 =	vld [tilespmem:s4+$0x1E0]  }
0x139: {  	[tilespmem:s4+$0xC000] =	vst.add.f32.msk $0xffff, v1  }
0x13a: {  	[tilespmem:s4+$0xC010] =	vst.add.f32.msk $0xffff, v2  }
0x13b: {  	[tilespmem:s4+$0xC020] =	vst.add.f32.msk $0xffff, v3  }
0x13c: {  	[tilespmem:s4+$0xC030] =	vst.add.f32.msk $0xffff, v4  }
0x13d: {  	[tilespmem:s4+$0xC040] =	vst.add.f32.msk $0xffff, v5  }
0x13e: {  	[tilespmem:s4+$0xC050] =	vst.add.f32.msk $0xffff, v6  }
0x13f: {  	[tilespmem:s4+$0xC060] =	vst.add.f32.msk $0xffff, v7  }
0x140: {  	[tilespmem:s4+$0xC070] =	vst.add.f32.msk $0xffff, v8  }
0x141: {  	[tilespmem:s4+$0xC080] =	vst.add.f32.msk $0xffff, v9  }
0x142: {  	[tilespmem:s4+$0xC090] =	vst.add.f32.msk $0xffff, v10  }
0x143: {  	[tilespmem:s4+$0xC0A0] =	vst.add.f32.msk $0xffff, v11  }
0x144: {  	[tilespmem:s4+$0xC0B0] =	vst.add.f32.msk $0xffff, v12  }
0x145: {  	[tilespmem:s4+$0xC0C0] =	vst.add.f32.msk $0xffff, v13  }
0x146: {  	[tilespmem:s4+$0xC0D0] =	vst.add.f32.msk $0xffff, v14  }
0x147: {  	[tilespmem:s4+$0xC0E0] =	vst.add.f32.msk $0xffff, v15  }
0x148: {  	[tilespmem:s4+$0xC0F0] =	vst.add.f32.msk $0xffff, v16  }
0x149: {  	[tilespmem:s4+$0xC100] =	vst.add.f32.msk $0xffff, v17  }
0x14a: {  	[tilespmem:s4+$0xC110] =	vst.add.f32.msk $0xffff, v18  }
0x14b: {  	[tilespmem:s4+$0xC120] =	vst.add.f32.msk $0xffff, v19  }
0x14c: {  	[tilespmem:s4+$0xC130] =	vst.add.f32.msk $0xffff, v20  }
0x14d: {  	[tilespmem:s4+$0xC140] =	vst.add.f32.msk $0xffff, v21  }
0x14e: {  	[tilespmem:s4+$0xC150] =	vst.add.f32.msk $0xffff, v22  }
0x14f: {  	[tilespmem:s4+$0xC160] =	vst.add.f32.msk $0xffff, v23  }
0x150: {  	[tilespmem:s4+$0xC170] =	vst.add.f32.msk $0xffff, v24  }
0x151: {  	[tilespmem:s4+$0xC180] =	vst.add.f32.msk $0xffff, v25  }
.Ltmp7:
0x152: {  	[tilespmem:s4+$0xC190] =	vst.add.f32.msk $0xffff, v26;
	(pc) =	sbr.rel @p0 .LBB2_13-.Ltmp7, $4  }
0x153: {  	[tilespmem:s4+$0xC1A0] =	vst.add.f32.msk $0xffff, v27  }
0x154: {  	[tilespmem:s4+$0xC1B0] =	vst.add.f32.msk $0xffff, v28  }
0x155: {  	[tilespmem:s4+$0xC1C0] =	vst.add.f32.msk $0xffff, v29  }
0x156: {  	s10 =	sadd.s32 $0x800, s10;
	[tilespmem:s4+$0xC1D0] =	vst.add.f32.msk $0xffff, v30  }
0x157: {  	s6 =	sadd.s32 s14, s8  }
0x158: {  	p0 =	seq.s32 s13, $0x19;
	s6 =	sshll.u32 s6, $0xD  }
0x159: {  	[tilespmem:s4+$0xC1E0] =	vst.add.f32.msk $0xffff, v0;
	s4 =	simm.s32 @!p0 $0x6;
	s10 =	sadd.s32 s6, s7  }
0x15a: {  	[hbm4b:s10+s3] =	stream.linear.scatter [tilespmem:s18], [sflag:$0x7], $0x4000, $0x38;
	[tilespmem:$0x1C000] =	vst v63  }
0x15b: {  	s6 =	smul.u32 @!p0 $0xA00, s13;
	_ =	swait.ge @!p0 [sflag:s4], $0x4000  }
0x15c: {  	[sflag:s4] =	ssyncset.done @!p0 $0x0  }
0x15d: {  	[sflag:s4] =	ssyncadd.s32 @!p0 $0xFFFFC000;
	s4 =	sshra.s32 @!p0 s6, $0x2  }
0x15e: {  	s10 =	simm.s32 @!p0 $0x8000;
	s6 =	simm.s32 @!p0 $0x80;
	s4 =	sadd.s32 @!p0 $0x4280, s4  }
0x15f: {  	[tilespmem:s10], [sflag:$0x1] =	stream.indirect.gather @!p0 [hbm4b:s1+s6], $0x80, s4, s6, $0xb8;
	[tilespmem:$0x1C000] =	vst v63  }
0x160: {  	_ =	swait.ge [sflag:s25], $0x4000  }
0x161: {  	[sflag:s25] =	ssyncset.done $0x0  }
0x162: {  	s4 =	simm.s32 $0x0;
	[sflag:s25] =	ssyncadd.s32 $0xFFFFC000  }
0x163: {  	v0 =	vld [tilespmem:s4+$0x1F0]  }
0x164: {  	v1 =	vld [tilespmem:s4+$0x0]  }
0x165: {  	v2 =	vld [tilespmem:s4+$0x10]  }
0x166: {  	v3 =	vld [tilespmem:s4+$0x20]  }
0x167: {  	v4 =	vld [tilespmem:s4+$0x30]  }
0x168: {  	v5 =	vld [tilespmem:s4+$0x40]  }
0x169: {  	v6 =	vld [tilespmem:s4+$0x50]  }
0x16a: {  	v7 =	vld [tilespmem:s4+$0x60]  }
0x16b: {  	v8 =	vld [tilespmem:s4+$0x70]  }
0x16c: {  	v9 =	vld [tilespmem:s4+$0x80]  }
0x16d: {  	v10 =	vld [tilespmem:s4+$0x90]  }
0x16e: {  	v11 =	vld [tilespmem:s4+$0xA0]  }
0x16f: {  	v12 =	vld [tilespmem:s4+$0xB0]  }
0x170: {  	v13 =	vld [tilespmem:s4+$0xC0]  }
0x171: {  	v14 =	vld [tilespmem:s4+$0xD0]  }
0x172: {  	v15 =	vld [tilespmem:s4+$0xE0]  }
0x173: {  	v16 =	vld [tilespmem:s4+$0xF0]  }
0x174: {  	v17 =	vld [tilespmem:s4+$0x100]  }
0x175: {  	v18 =	vld [tilespmem:s4+$0x110]  }
0x176: {  	v19 =	vld [tilespmem:s4+$0x120]  }
0x177: {  	v20 =	vld [tilespmem:s4+$0x130]  }
0x178: {  	v21 =	vld [tilespmem:s4+$0x140]  }
0x179: {  	v22 =	vld [tilespmem:s4+$0x150]  }
0x17a: {  	v23 =	vld [tilespmem:s4+$0x160]  }
0x17b: {  	v24 =	vld [tilespmem:s4+$0x170]  }
0x17c: {  	v25 =	vld [tilespmem:s4+$0x180]  }
0x17d: {  	v26 =	vld [tilespmem:s4+$0x190]  }
0x17e: {  	v27 =	vld [tilespmem:s4+$0x1A0]  }
0x17f: {  	v28 =	vld [tilespmem:s4+$0x1B0]  }
0x180: {  	v29 =	vld [tilespmem:s4+$0x1C0]  }
0x181: {  	v30 =	vld [tilespmem:s4+$0x1D0]  }
0x182: {  	[tilespmem:s4+$0x101F0] =	vst.add.f32.msk $0xffff, v0  }
0x183: {  	v0 =	vld [tilespmem:s4+$0x1E0]  }
0x184: {  	[tilespmem:s4+$0x10000] =	vst.add.f32.msk $0xffff, v1  }
0x185: {  	[tilespmem:s4+$0x10010] =	vst.add.f32.msk $0xffff, v2  }
0x186: {  	[tilespmem:s4+$0x10020] =	vst.add.f32.msk $0xffff, v3  }
0x187: {  	[tilespmem:s4+$0x10030] =	vst.add.f32.msk $0xffff, v4  }
0x188: {  	[tilespmem:s4+$0x10040] =	vst.add.f32.msk $0xffff, v5  }
0x189: {  	[tilespmem:s4+$0x10050] =	vst.add.f32.msk $0xffff, v6  }
0x18a: {  	[tilespmem:s4+$0x10060] =	vst.add.f32.msk $0xffff, v7  }
0x18b: {  	[tilespmem:s4+$0x10070] =	vst.add.f32.msk $0xffff, v8  }
0x18c: {  	[tilespmem:s4+$0x10080] =	vst.add.f32.msk $0xffff, v9  }
0x18d: {  	[tilespmem:s4+$0x10090] =	vst.add.f32.msk $0xffff, v10  }
0x18e: {  	[tilespmem:s4+$0x100A0] =	vst.add.f32.msk $0xffff, v11  }
0x18f: {  	[tilespmem:s4+$0x100B0] =	vst.add.f32.msk $0xffff, v12  }
0x190: {  	[tilespmem:s4+$0x100C0] =	vst.add.f32.msk $0xffff, v13  }
0x191: {  	[tilespmem:s4+$0x100D0] =	vst.add.f32.msk $0xffff, v14  }
0x192: {  	[tilespmem:s4+$0x100E0] =	vst.add.f32.msk $0xffff, v15  }
0x193: {  	[tilespmem:s4+$0x100F0] =	vst.add.f32.msk $0xffff, v16  }
0x194: {  	[tilespmem:s4+$0x10100] =	vst.add.f32.msk $0xffff, v17  }
0x195: {  	[tilespmem:s4+$0x10110] =	vst.add.f32.msk $0xffff, v18  }
0x196: {  	[tilespmem:s4+$0x10120] =	vst.add.f32.msk $0xffff, v19  }
0x197: {  	[tilespmem:s4+$0x10130] =	vst.add.f32.msk $0xffff, v20  }
0x198: {  	[tilespmem:s4+$0x10140] =	vst.add.f32.msk $0xffff, v21  }
0x199: {  	[tilespmem:s4+$0x10150] =	vst.add.f32.msk $0xffff, v22  }
0x19a: {  	[tilespmem:s4+$0x10160] =	vst.add.f32.msk $0xffff, v23  }
0x19b: {  	[tilespmem:s4+$0x10170] =	vst.add.f32.msk $0xffff, v24  }
0x19c: {  	[tilespmem:s4+$0x10180] =	vst.add.f32.msk $0xffff, v25  }
0x19d: {  	[tilespmem:s4+$0x10190] =	vst.add.f32.msk $0xffff, v26  }
0x19e: {  	[tilespmem:s4+$0x101A0] =	vst.add.f32.msk $0xffff, v27  }
0x19f: {  	[tilespmem:s4+$0x101B0] =	vst.add.f32.msk $0xffff, v28  }
0x1a0: {  	[tilespmem:s4+$0x101C0] =	vst.add.f32.msk $0xffff, v29  }
0x1a1: {  	s6 =	simm.s32 $0x0;
	s10 =	simm.s32 $0x800;
	[tilespmem:s4+$0x101D0] =	vst.add.f32.msk $0xffff, v30  }
.LBB2_15:
0x1a2: {  	s6 =	sadd.s32 $0x4, s6;
	[tilespmem:s4+$0x101E0] =	vst.add.f32.msk $0xffff, v0;
	s4 =	sshra.s32 s10, $0x2  }
0x1a3: {  	v0 =	vld [tilespmem:s4+$0x1F0];
	p1 =	slt.u32 s6, $0x7C  }
0x1a4: {  	v1 =	vld [tilespmem:s4+$0x0]  }
0x1a5: {  	v2 =	vld [tilespmem:s4+$0x10]  }
0x1a6: {  	v3 =	vld [tilespmem:s4+$0x20]  }
0x1a7: {  	v4 =	vld [tilespmem:s4+$0x30]  }
0x1a8: {  	[tilespmem:s4+$0x101F0] =	vst.add.f32.msk $0xffff, v0  }
0x1a9: {  	v5 =	vld [tilespmem:s4+$0x40]  }
0x1aa: {  	v6 =	vld [tilespmem:s4+$0x50]  }
0x1ab: {  	v7 =	vld [tilespmem:s4+$0x60]  }
0x1ac: {  	v8 =	vld [tilespmem:s4+$0x70]  }
0x1ad: {  	v9 =	vld [tilespmem:s4+$0x80]  }
0x1ae: {  	v10 =	vld [tilespmem:s4+$0x90]  }
0x1af: {  	v11 =	vld [tilespmem:s4+$0xA0]  }
0x1b0: {  	v12 =	vld [tilespmem:s4+$0xB0]  }
0x1b1: {  	v13 =	vld [tilespmem:s4+$0xC0]  }
0x1b2: {  	v14 =	vld [tilespmem:s4+$0xD0]  }
0x1b3: {  	v15 =	vld [tilespmem:s4+$0xE0]  }
0x1b4: {  	v16 =	vld [tilespmem:s4+$0xF0]  }
0x1b5: {  	v17 =	vld [tilespmem:s4+$0x100]  }
0x1b6: {  	v18 =	vld [tilespmem:s4+$0x110]  }
0x1b7: {  	v19 =	vld [tilespmem:s4+$0x120]  }
0x1b8: {  	v20 =	vld [tilespmem:s4+$0x130]  }
0x1b9: {  	v21 =	vld [tilespmem:s4+$0x140]  }
0x1ba: {  	v22 =	vld [tilespmem:s4+$0x150]  }
0x1bb: {  	v23 =	vld [tilespmem:s4+$0x160]  }
0x1bc: {  	v24 =	vld [tilespmem:s4+$0x170]  }
0x1bd: {  	v25 =	vld [tilespmem:s4+$0x180]  }
0x1be: {  	v26 =	vld [tilespmem:s4+$0x190]  }
0x1bf: {  	v27 =	vld [tilespmem:s4+$0x1A0]  }
0x1c0: {  	v28 =	vld [tilespmem:s4+$0x1B0]  }
0x1c1: {  	v29 =	vld [tilespmem:s4+$0x1C0]  }
0x1c2: {  	v30 =	vld [tilespmem:s4+$0x1D0]  }
0x1c3: {  	v0 =	vld [tilespmem:s4+$0x1E0]  }
0x1c4: {  	[tilespmem:s4+$0x10000] =	vst.add.f32.msk $0xffff, v1  }
0x1c5: {  	[tilespmem:s4+$0x10010] =	vst.add.f32.msk $0xffff, v2  }
0x1c6: {  	[tilespmem:s4+$0x10020] =	vst.add.f32.msk $0xffff, v3  }
0x1c7: {  	[tilespmem:s4+$0x10030] =	vst.add.f32.msk $0xffff, v4  }
0x1c8: {  	[tilespmem:s4+$0x10040] =	vst.add.f32.msk $0xffff, v5  }
0x1c9: {  	[tilespmem:s4+$0x10050] =	vst.add.f32.msk $0xffff, v6  }
0x1ca: {  	[tilespmem:s4+$0x10060] =	vst.add.f32.msk $0xffff, v7  }
0x1cb: {  	[tilespmem:s4+$0x10070] =	vst.add.f32.msk $0xffff, v8  }
0x1cc: {  	[tilespmem:s4+$0x10080] =	vst.add.f32.msk $0xffff, v9  }
0x1cd: {  	[tilespmem:s4+$0x10090] =	vst.add.f32.msk $0xffff, v10  }
0x1ce: {  	[tilespmem:s4+$0x100A0] =	vst.add.f32.msk $0xffff, v11  }
0x1cf: {  	[tilespmem:s4+$0x100B0] =	vst.add.f32.msk $0xffff, v12  }
0x1d0: {  	[tilespmem:s4+$0x100C0] =	vst.add.f32.msk $0xffff, v13  }
0x1d1: {  	[tilespmem:s4+$0x100D0] =	vst.add.f32.msk $0xffff, v14  }
0x1d2: {  	[tilespmem:s4+$0x100E0] =	vst.add.f32.msk $0xffff, v15  }
0x1d3: {  	[tilespmem:s4+$0x100F0] =	vst.add.f32.msk $0xffff, v16  }
0x1d4: {  	[tilespmem:s4+$0x10100] =	vst.add.f32.msk $0xffff, v17  }
0x1d5: {  	[tilespmem:s4+$0x10110] =	vst.add.f32.msk $0xffff, v18  }
0x1d6: {  	[tilespmem:s4+$0x10120] =	vst.add.f32.msk $0xffff, v19  }
0x1d7: {  	[tilespmem:s4+$0x10130] =	vst.add.f32.msk $0xffff, v20  }
0x1d8: {  	[tilespmem:s4+$0x10140] =	vst.add.f32.msk $0xffff, v21  }
0x1d9: {  	[tilespmem:s4+$0x10150] =	vst.add.f32.msk $0xffff, v22  }
0x1da: {  	[tilespmem:s4+$0x10160] =	vst.add.f32.msk $0xffff, v23  }
0x1db: {  	[tilespmem:s4+$0x10170] =	vst.add.f32.msk $0xffff, v24  }
0x1dc: {  	[tilespmem:s4+$0x10180] =	vst.add.f32.msk $0xffff, v25  }
.Ltmp8:
0x1dd: {  	[tilespmem:s4+$0x10190] =	vst.add.f32.msk $0xffff, v26;
	(pc) =	sbr.rel @p1 .LBB2_15-.Ltmp8, $4  }
0x1de: {  	[tilespmem:s4+$0x101A0] =	vst.add.f32.msk $0xffff, v27  }
0x1df: {  	[tilespmem:s4+$0x101B0] =	vst.add.f32.msk $0xffff, v28  }
0x1e0: {  	[tilespmem:s4+$0x101C0] =	vst.add.f32.msk $0xffff, v29  }
0x1e1: {  	s10 =	sadd.s32 $0x800, s10;
	[tilespmem:s4+$0x101D0] =	vst.add.f32.msk $0xffff, v30  }
.Ltmp9:
0x1e2: {  	(pc) =	sbr.rel @p0 .LBB2_22-.Ltmp9, $4  }
0x1e3: {  	s6 =	sadd.s32 s14, s9  }
0x1e4: {  	s6 =	sshll.u32 s6, $0xD  }
0x1e5: {  	[tilespmem:s4+$0x101E0] =	vst.add.f32.msk $0xffff, v0;
	s14 =	sadd.s32 s6, s7  }
0x1e6: {  	[hbm4b:s14+s3] =	stream.linear.scatter [tilespmem:s20], [sflag:$0x8], $0x4000, $0x38;
	[tilespmem:$0x1C000] =	vst v63  }
0x1e7: {  	s4 =	smul.u32 $0xA00, s13  }
0x1e8: {  	_ =	swait.ge [sflag:s28], $0x4000  }
0x1e9: {  	[sflag:s28] =	ssyncset.done $0x0;
	s14 =	sshra.s32 s4, $0x2  }
0x1ea: {  	[sflag:s28] =	ssyncadd.s32 $0xFFFFC000;
	s4 =	sadd.s32 $0x4300, s14  }
0x1eb: {  	[tilespmem:s18], [sflag:$0x2] =	stream.indirect.gather [hbm4b:s1+s15], $0x80, s4, s15, $0xb8;
	[tilespmem:$0x1C000] =	vst v63  }
0x1ec: {  	_ =	swait.ge [sflag:s0], $0x4000  }
0x1ed: {  	[sflag:s0] =	ssyncset.done $0x0  }
0x1ee: {  	s4 =	simm.s32 $0x0;
	[sflag:s0] =	ssyncadd.s32 $0xFFFFC000  }
0x1ef: {  	v0 =	vld [tilespmem:s4+$0x1F0]  }
0x1f0: {  	v1 =	vld [tilespmem:s4+$0x0]  }
0x1f1: {  	v2 =	vld [tilespmem:s4+$0x10]  }
0x1f2: {  	v3 =	vld [tilespmem:s4+$0x20]  }
0x1f3: {  	v4 =	vld [tilespmem:s4+$0x30]  }
0x1f4: {  	v5 =	vld [tilespmem:s4+$0x40]  }
0x1f5: {  	v6 =	vld [tilespmem:s4+$0x50]  }
0x1f6: {  	v7 =	vld [tilespmem:s4+$0x60]  }
0x1f7: {  	v8 =	vld [tilespmem:s4+$0x70]  }
0x1f8: {  	v9 =	vld [tilespmem:s4+$0x80]  }
0x1f9: {  	v10 =	vld [tilespmem:s4+$0x90]  }
0x1fa: {  	v11 =	vld [tilespmem:s4+$0xA0]  }
0x1fb: {  	v12 =	vld [tilespmem:s4+$0xB0]  }
0x1fc: {  	v13 =	vld [tilespmem:s4+$0xC0]  }
0x1fd: {  	v14 =	vld [tilespmem:s4+$0xD0]  }
0x1fe: {  	v15 =	vld [tilespmem:s4+$0xE0]  }
0x1ff: {  	v16 =	vld [tilespmem:s4+$0xF0]  }
0x200: {  	v17 =	vld [tilespmem:s4+$0x100]  }
0x201: {  	v18 =	vld [tilespmem:s4+$0x110]  }
0x202: {  	v19 =	vld [tilespmem:s4+$0x120]  }
0x203: {  	v20 =	vld [tilespmem:s4+$0x130]  }
0x204: {  	v21 =	vld [tilespmem:s4+$0x140]  }
0x205: {  	v22 =	vld [tilespmem:s4+$0x150]  }
0x206: {  	v23 =	vld [tilespmem:s4+$0x160]  }
0x207: {  	v24 =	vld [tilespmem:s4+$0x170]  }
0x208: {  	v25 =	vld [tilespmem:s4+$0x180]  }
0x209: {  	v26 =	vld [tilespmem:s4+$0x190]  }
0x20a: {  	v27 =	vld [tilespmem:s4+$0x1A0]  }
0x20b: {  	v28 =	vld [tilespmem:s4+$0x1B0]  }
0x20c: {  	v29 =	vld [tilespmem:s4+$0x1C0]  }
0x20d: {  	v30 =	vld [tilespmem:s4+$0x1D0]  }
0x20e: {  	[tilespmem:s4+$0x141F0] =	vst.add.f32.msk $0xffff, v0  }
0x20f: {  	v0 =	vld [tilespmem:s4+$0x1E0]  }
0x210: {  	[tilespmem:s4+$0x14000] =	vst.add.f32.msk $0xffff, v1  }
0x211: {  	[tilespmem:s4+$0x14010] =	vst.add.f32.msk $0xffff, v2  }
0x212: {  	[tilespmem:s4+$0x14020] =	vst.add.f32.msk $0xffff, v3  }
0x213: {  	[tilespmem:s4+$0x14030] =	vst.add.f32.msk $0xffff, v4  }
0x214: {  	[tilespmem:s4+$0x14040] =	vst.add.f32.msk $0xffff, v5  }
0x215: {  	[tilespmem:s4+$0x14050] =	vst.add.f32.msk $0xffff, v6  }
0x216: {  	[tilespmem:s4+$0x14060] =	vst.add.f32.msk $0xffff, v7  }
0x217: {  	[tilespmem:s4+$0x14070] =	vst.add.f32.msk $0xffff, v8  }
0x218: {  	[tilespmem:s4+$0x14080] =	vst.add.f32.msk $0xffff, v9  }
0x219: {  	[tilespmem:s4+$0x14090] =	vst.add.f32.msk $0xffff, v10  }
0x21a: {  	[tilespmem:s4+$0x140A0] =	vst.add.f32.msk $0xffff, v11  }
0x21b: {  	[tilespmem:s4+$0x140B0] =	vst.add.f32.msk $0xffff, v12  }
0x21c: {  	[tilespmem:s4+$0x140C0] =	vst.add.f32.msk $0xffff, v13  }
0x21d: {  	[tilespmem:s4+$0x140D0] =	vst.add.f32.msk $0xffff, v14  }
0x21e: {  	[tilespmem:s4+$0x140E0] =	vst.add.f32.msk $0xffff, v15  }
0x21f: {  	[tilespmem:s4+$0x140F0] =	vst.add.f32.msk $0xffff, v16  }
0x220: {  	[tilespmem:s4+$0x14100] =	vst.add.f32.msk $0xffff, v17  }
0x221: {  	[tilespmem:s4+$0x14110] =	vst.add.f32.msk $0xffff, v18  }
0x222: {  	[tilespmem:s4+$0x14120] =	vst.add.f32.msk $0xffff, v19  }
0x223: {  	[tilespmem:s4+$0x14130] =	vst.add.f32.msk $0xffff, v20  }
0x224: {  	[tilespmem:s4+$0x14140] =	vst.add.f32.msk $0xffff, v21  }
0x225: {  	[tilespmem:s4+$0x14150] =	vst.add.f32.msk $0xffff, v22  }
0x226: {  	[tilespmem:s4+$0x14160] =	vst.add.f32.msk $0xffff, v23  }
0x227: {  	[tilespmem:s4+$0x14170] =	vst.add.f32.msk $0xffff, v24  }
0x228: {  	[tilespmem:s4+$0x14180] =	vst.add.f32.msk $0xffff, v25  }
0x229: {  	[tilespmem:s4+$0x14190] =	vst.add.f32.msk $0xffff, v26  }
0x22a: {  	[tilespmem:s4+$0x141A0] =	vst.add.f32.msk $0xffff, v27  }
0x22b: {  	[tilespmem:s4+$0x141B0] =	vst.add.f32.msk $0xffff, v28  }
0x22c: {  	[tilespmem:s4+$0x141C0] =	vst.add.f32.msk $0xffff, v29  }
0x22d: {  	s6 =	simm.s32 $0x0;
	s10 =	simm.s32 $0x800;
	[tilespmem:s4+$0x141D0] =	vst.add.f32.msk $0xffff, v30  }
.LBB2_18:
0x22e: {  	s6 =	sadd.s32 $0x4, s6;
	[tilespmem:s4+$0x141E0] =	vst.add.f32.msk $0xffff, v0;
	s4 =	sshra.s32 s10, $0x2  }
0x22f: {  	v0 =	vld [tilespmem:s4+$0x1F0];
	p0 =	slt.u32 s6, $0x7C  }
0x230: {  	v1 =	vld [tilespmem:s4+$0x0]  }
0x231: {  	v2 =	vld [tilespmem:s4+$0x10]  }
0x232: {  	v3 =	vld [tilespmem:s4+$0x20]  }
0x233: {  	v4 =	vld [tilespmem:s4+$0x30]  }
0x234: {  	[tilespmem:s4+$0x141F0] =	vst.add.f32.msk $0xffff, v0  }
0x235: {  	v5 =	vld [tilespmem:s4+$0x40]  }
0x236: {  	v6 =	vld [tilespmem:s4+$0x50]  }
0x237: {  	v7 =	vld [tilespmem:s4+$0x60]  }
0x238: {  	v8 =	vld [tilespmem:s4+$0x70]  }
0x239: {  	v9 =	vld [tilespmem:s4+$0x80]  }
0x23a: {  	v10 =	vld [tilespmem:s4+$0x90]  }
0x23b: {  	v11 =	vld [tilespmem:s4+$0xA0]  }
0x23c: {  	v12 =	vld [tilespmem:s4+$0xB0]  }
0x23d: {  	v13 =	vld [tilespmem:s4+$0xC0]  }
0x23e: {  	v14 =	vld [tilespmem:s4+$0xD0]  }
0x23f: {  	v15 =	vld [tilespmem:s4+$0xE0]  }
0x240: {  	v16 =	vld [tilespmem:s4+$0xF0]  }
0x241: {  	v17 =	vld [tilespmem:s4+$0x100]  }
0x242: {  	v18 =	vld [tilespmem:s4+$0x110]  }
0x243: {  	v19 =	vld [tilespmem:s4+$0x120]  }
0x244: {  	v20 =	vld [tilespmem:s4+$0x130]  }
0x245: {  	v21 =	vld [tilespmem:s4+$0x140]  }
0x246: {  	v22 =	vld [tilespmem:s4+$0x150]  }
0x247: {  	v23 =	vld [tilespmem:s4+$0x160]  }
0x248: {  	v24 =	vld [tilespmem:s4+$0x170]  }
0x249: {  	v25 =	vld [tilespmem:s4+$0x180]  }
0x24a: {  	v26 =	vld [tilespmem:s4+$0x190]  }
0x24b: {  	v27 =	vld [tilespmem:s4+$0x1A0]  }
0x24c: {  	v28 =	vld [tilespmem:s4+$0x1B0]  }
0x24d: {  	v29 =	vld [tilespmem:s4+$0x1C0]  }
0x24e: {  	v30 =	vld [tilespmem:s4+$0x1D0]  }
0x24f: {  	v0 =	vld [tilespmem:s4+$0x1E0]  }
0x250: {  	[tilespmem:s4+$0x14000] =	vst.add.f32.msk $0xffff, v1  }
0x251: {  	[tilespmem:s4+$0x14010] =	vst.add.f32.msk $0xffff, v2  }
0x252: {  	[tilespmem:s4+$0x14020] =	vst.add.f32.msk $0xffff, v3  }
0x253: {  	[tilespmem:s4+$0x14030] =	vst.add.f32.msk $0xffff, v4  }
0x254: {  	[tilespmem:s4+$0x14040] =	vst.add.f32.msk $0xffff, v5  }
0x255: {  	[tilespmem:s4+$0x14050] =	vst.add.f32.msk $0xffff, v6  }
0x256: {  	[tilespmem:s4+$0x14060] =	vst.add.f32.msk $0xffff, v7  }
0x257: {  	[tilespmem:s4+$0x14070] =	vst.add.f32.msk $0xffff, v8  }
0x258: {  	[tilespmem:s4+$0x14080] =	vst.add.f32.msk $0xffff, v9  }
0x259: {  	[tilespmem:s4+$0x14090] =	vst.add.f32.msk $0xffff, v10  }
0x25a: {  	[tilespmem:s4+$0x140A0] =	vst.add.f32.msk $0xffff, v11  }
0x25b: {  	[tilespmem:s4+$0x140B0] =	vst.add.f32.msk $0xffff, v12  }
0x25c: {  	[tilespmem:s4+$0x140C0] =	vst.add.f32.msk $0xffff, v13  }
0x25d: {  	[tilespmem:s4+$0x140D0] =	vst.add.f32.msk $0xffff, v14  }
0x25e: {  	[tilespmem:s4+$0x140E0] =	vst.add.f32.msk $0xffff, v15  }
0x25f: {  	[tilespmem:s4+$0x140F0] =	vst.add.f32.msk $0xffff, v16  }
0x260: {  	[tilespmem:s4+$0x14100] =	vst.add.f32.msk $0xffff, v17  }
0x261: {  	[tilespmem:s4+$0x14110] =	vst.add.f32.msk $0xffff, v18  }
0x262: {  	[tilespmem:s4+$0x14120] =	vst.add.f32.msk $0xffff, v19  }
0x263: {  	[tilespmem:s4+$0x14130] =	vst.add.f32.msk $0xffff, v20  }
0x264: {  	[tilespmem:s4+$0x14140] =	vst.add.f32.msk $0xffff, v21  }
0x265: {  	[tilespmem:s4+$0x14150] =	vst.add.f32.msk $0xffff, v22  }
0x266: {  	[tilespmem:s4+$0x14160] =	vst.add.f32.msk $0xffff, v23  }
0x267: {  	[tilespmem:s4+$0x14170] =	vst.add.f32.msk $0xffff, v24  }
0x268: {  	[tilespmem:s4+$0x14180] =	vst.add.f32.msk $0xffff, v25  }
.Ltmp10:
0x269: {  	[tilespmem:s4+$0x14190] =	vst.add.f32.msk $0xffff, v26;
	(pc) =	sbr.rel @p0 .LBB2_18-.Ltmp10, $4  }
0x26a: {  	[tilespmem:s4+$0x141A0] =	vst.add.f32.msk $0xffff, v27  }
0x26b: {  	[tilespmem:s4+$0x141B0] =	vst.add.f32.msk $0xffff, v28  }
0x26c: {  	[tilespmem:s4+$0x141C0] =	vst.add.f32.msk $0xffff, v29  }
0x26d: {  	s10 =	sadd.s32 $0x800, s10;
	[tilespmem:s4+$0x141D0] =	vst.add.f32.msk $0xffff, v30  }
0x26e: {  	s6 =	sadd.s32 s5, s17  }
0x26f: {  	s6 =	sshll.u32 s6, $0xD  }
0x270: {  	[tilespmem:s4+$0x141E0] =	vst.add.f32.msk $0xffff, v0;
	s10 =	simm.s32 $0x0;
	s6 =	sadd.s32 s6, s7  }
0x271: {  	[hbm4b:s6+s10] =	stream.linear.scatter [tilespmem:s21], [sflag:$0x9], $0x4000, $0x38;
	[tilespmem:$0x1C000] =	vst v63  }
0x272: {  	_ =	swait.ge [sflag:s29], $0x4000  }
0x273: {  	[sflag:s29] =	ssyncset.done $0x0  }
0x274: {  	s17 =	sadd.s32 $0x4380, s14;
	[sflag:s29] =	ssyncadd.s32 $0xFFFFC000  }
0x275: {  	[tilespmem:s20], [sflag:$0x3] =	stream.indirect.gather [hbm4b:s1+s15], $0x80, s17, s15, $0xb8;
	[tilespmem:$0x1C000] =	vst v63  }
0x276: {  	_ =	swait.ge [sflag:s2], $0x4000  }
0x277: {  	[sflag:s2] =	ssyncset.done $0x0  }
0x278: {  	s4 =	simm.s32 $0x0;
	[sflag:s2] =	ssyncadd.s32 $0xFFFFC000  }
0x279: {  	v0 =	vld [tilespmem:s4+$0x1F0]  }
0x27a: {  	v1 =	vld [tilespmem:s4+$0x0]  }
0x27b: {  	v2 =	vld [tilespmem:s4+$0x10]  }
0x27c: {  	v3 =	vld [tilespmem:s4+$0x20]  }
0x27d: {  	v4 =	vld [tilespmem:s4+$0x30]  }
0x27e: {  	v5 =	vld [tilespmem:s4+$0x40]  }
0x27f: {  	v6 =	vld [tilespmem:s4+$0x50]  }
0x280: {  	v7 =	vld [tilespmem:s4+$0x60]  }
0x281: {  	v8 =	vld [tilespmem:s4+$0x70]  }
0x282: {  	v9 =	vld [tilespmem:s4+$0x80]  }
0x283: {  	v10 =	vld [tilespmem:s4+$0x90]  }
0x284: {  	v11 =	vld [tilespmem:s4+$0xA0]  }
0x285: {  	v12 =	vld [tilespmem:s4+$0xB0]  }
0x286: {  	v13 =	vld [tilespmem:s4+$0xC0]  }
0x287: {  	v14 =	vld [tilespmem:s4+$0xD0]  }
0x288: {  	v15 =	vld [tilespmem:s4+$0xE0]  }
0x289: {  	v16 =	vld [tilespmem:s4+$0xF0]  }
0x28a: {  	v17 =	vld [tilespmem:s4+$0x100]  }
0x28b: {  	v18 =	vld [tilespmem:s4+$0x110]  }
0x28c: {  	v19 =	vld [tilespmem:s4+$0x120]  }
0x28d: {  	v20 =	vld [tilespmem:s4+$0x130]  }
0x28e: {  	v21 =	vld [tilespmem:s4+$0x140]  }
0x28f: {  	v22 =	vld [tilespmem:s4+$0x150]  }
0x290: {  	v23 =	vld [tilespmem:s4+$0x160]  }
0x291: {  	v24 =	vld [tilespmem:s4+$0x170]  }
0x292: {  	v25 =	vld [tilespmem:s4+$0x180]  }
0x293: {  	v26 =	vld [tilespmem:s4+$0x190]  }
0x294: {  	v27 =	vld [tilespmem:s4+$0x1A0]  }
0x295: {  	v28 =	vld [tilespmem:s4+$0x1B0]  }
0x296: {  	v29 =	vld [tilespmem:s4+$0x1C0]  }
0x297: {  	v30 =	vld [tilespmem:s4+$0x1D0]  }
0x298: {  	[tilespmem:s4+$0x181F0] =	vst.add.f32.msk $0xffff, v0  }
0x299: {  	v0 =	vld [tilespmem:s4+$0x1E0]  }
0x29a: {  	[tilespmem:s4+$0x18000] =	vst.add.f32.msk $0xffff, v1  }
0x29b: {  	[tilespmem:s4+$0x18010] =	vst.add.f32.msk $0xffff, v2  }
0x29c: {  	[tilespmem:s4+$0x18020] =	vst.add.f32.msk $0xffff, v3  }
0x29d: {  	[tilespmem:s4+$0x18030] =	vst.add.f32.msk $0xffff, v4  }
0x29e: {  	[tilespmem:s4+$0x18040] =	vst.add.f32.msk $0xffff, v5  }
0x29f: {  	[tilespmem:s4+$0x18050] =	vst.add.f32.msk $0xffff, v6  }
0x2a0: {  	[tilespmem:s4+$0x18060] =	vst.add.f32.msk $0xffff, v7  }
0x2a1: {  	[tilespmem:s4+$0x18070] =	vst.add.f32.msk $0xffff, v8  }
0x2a2: {  	[tilespmem:s4+$0x18080] =	vst.add.f32.msk $0xffff, v9  }
0x2a3: {  	[tilespmem:s4+$0x18090] =	vst.add.f32.msk $0xffff, v10  }
0x2a4: {  	[tilespmem:s4+$0x180A0] =	vst.add.f32.msk $0xffff, v11  }
0x2a5: {  	[tilespmem:s4+$0x180B0] =	vst.add.f32.msk $0xffff, v12  }
0x2a6: {  	[tilespmem:s4+$0x180C0] =	vst.add.f32.msk $0xffff, v13  }
0x2a7: {  	[tilespmem:s4+$0x180D0] =	vst.add.f32.msk $0xffff, v14  }
0x2a8: {  	[tilespmem:s4+$0x180E0] =	vst.add.f32.msk $0xffff, v15  }
0x2a9: {  	[tilespmem:s4+$0x180F0] =	vst.add.f32.msk $0xffff, v16  }
0x2aa: {  	[tilespmem:s4+$0x18100] =	vst.add.f32.msk $0xffff, v17  }
0x2ab: {  	[tilespmem:s4+$0x18110] =	vst.add.f32.msk $0xffff, v18  }
0x2ac: {  	[tilespmem:s4+$0x18120] =	vst.add.f32.msk $0xffff, v19  }
0x2ad: {  	[tilespmem:s4+$0x18130] =	vst.add.f32.msk $0xffff, v20  }
0x2ae: {  	[tilespmem:s4+$0x18140] =	vst.add.f32.msk $0xffff, v21  }
0x2af: {  	[tilespmem:s4+$0x18150] =	vst.add.f32.msk $0xffff, v22  }
0x2b0: {  	[tilespmem:s4+$0x18160] =	vst.add.f32.msk $0xffff, v23  }
0x2b1: {  	[tilespmem:s4+$0x18170] =	vst.add.f32.msk $0xffff, v24  }
0x2b2: {  	[tilespmem:s4+$0x18180] =	vst.add.f32.msk $0xffff, v25  }
0x2b3: {  	[tilespmem:s4+$0x18190] =	vst.add.f32.msk $0xffff, v26  }
0x2b4: {  	[tilespmem:s4+$0x181A0] =	vst.add.f32.msk $0xffff, v27  }
0x2b5: {  	[tilespmem:s4+$0x181B0] =	vst.add.f32.msk $0xffff, v28  }
0x2b6: {  	[tilespmem:s4+$0x181C0] =	vst.add.f32.msk $0xffff, v29  }
0x2b7: {  	s6 =	simm.s32 $0x0;
	s10 =	simm.s32 $0x800;
	[tilespmem:s4+$0x181D0] =	vst.add.f32.msk $0xffff, v30  }
.LBB2_20:
0x2b8: {  	s6 =	sadd.s32 $0x4, s6;
	[tilespmem:s4+$0x181E0] =	vst.add.f32.msk $0xffff, v0;
	s4 =	sshra.s32 s10, $0x2  }
0x2b9: {  	v0 =	vld [tilespmem:s4+$0x1F0];
	p0 =	slt.u32 s6, $0x7C  }
0x2ba: {  	v1 =	vld [tilespmem:s4+$0x0]  }
0x2bb: {  	v2 =	vld [tilespmem:s4+$0x10]  }
0x2bc: {  	v3 =	vld [tilespmem:s4+$0x20]  }
0x2bd: {  	v4 =	vld [tilespmem:s4+$0x30]  }
0x2be: {  	[tilespmem:s4+$0x181F0] =	vst.add.f32.msk $0xffff, v0  }
0x2bf: {  	v5 =	vld [tilespmem:s4+$0x40]  }
0x2c0: {  	v6 =	vld [tilespmem:s4+$0x50]  }
0x2c1: {  	v7 =	vld [tilespmem:s4+$0x60]  }
0x2c2: {  	v8 =	vld [tilespmem:s4+$0x70]  }
0x2c3: {  	v9 =	vld [tilespmem:s4+$0x80]  }
0x2c4: {  	v10 =	vld [tilespmem:s4+$0x90]  }
0x2c5: {  	v11 =	vld [tilespmem:s4+$0xA0]  }
0x2c6: {  	v12 =	vld [tilespmem:s4+$0xB0]  }
0x2c7: {  	v13 =	vld [tilespmem:s4+$0xC0]  }
0x2c8: {  	v14 =	vld [tilespmem:s4+$0xD0]  }
0x2c9: {  	v15 =	vld [tilespmem:s4+$0xE0]  }
0x2ca: {  	v16 =	vld [tilespmem:s4+$0xF0]  }
0x2cb: {  	v17 =	vld [tilespmem:s4+$0x100]  }
0x2cc: {  	v18 =	vld [tilespmem:s4+$0x110]  }
0x2cd: {  	v19 =	vld [tilespmem:s4+$0x120]  }
0x2ce: {  	v20 =	vld [tilespmem:s4+$0x130]  }
0x2cf: {  	v21 =	vld [tilespmem:s4+$0x140]  }
0x2d0: {  	v22 =	vld [tilespmem:s4+$0x150]  }
0x2d1: {  	v23 =	vld [tilespmem:s4+$0x160]  }
0x2d2: {  	v24 =	vld [tilespmem:s4+$0x170]  }
0x2d3: {  	v25 =	vld [tilespmem:s4+$0x180]  }
0x2d4: {  	v26 =	vld [tilespmem:s4+$0x190]  }
0x2d5: {  	v27 =	vld [tilespmem:s4+$0x1A0]  }
0x2d6: {  	v28 =	vld [tilespmem:s4+$0x1B0]  }
0x2d7: {  	v29 =	vld [tilespmem:s4+$0x1C0]  }
0x2d8: {  	v30 =	vld [tilespmem:s4+$0x1D0]  }
0x2d9: {  	v0 =	vld [tilespmem:s4+$0x1E0]  }
0x2da: {  	[tilespmem:s4+$0x18000] =	vst.add.f32.msk $0xffff, v1  }
0x2db: {  	[tilespmem:s4+$0x18010] =	vst.add.f32.msk $0xffff, v2  }
0x2dc: {  	[tilespmem:s4+$0x18020] =	vst.add.f32.msk $0xffff, v3  }
0x2dd: {  	[tilespmem:s4+$0x18030] =	vst.add.f32.msk $0xffff, v4  }
0x2de: {  	[tilespmem:s4+$0x18040] =	vst.add.f32.msk $0xffff, v5  }
0x2df: {  	[tilespmem:s4+$0x18050] =	vst.add.f32.msk $0xffff, v6  }
0x2e0: {  	[tilespmem:s4+$0x18060] =	vst.add.f32.msk $0xffff, v7  }
0x2e1: {  	[tilespmem:s4+$0x18070] =	vst.add.f32.msk $0xffff, v8  }
0x2e2: {  	[tilespmem:s4+$0x18080] =	vst.add.f32.msk $0xffff, v9  }
0x2e3: {  	[tilespmem:s4+$0x18090] =	vst.add.f32.msk $0xffff, v10  }
0x2e4: {  	[tilespmem:s4+$0x180A0] =	vst.add.f32.msk $0xffff, v11  }
0x2e5: {  	[tilespmem:s4+$0x180B0] =	vst.add.f32.msk $0xffff, v12  }
0x2e6: {  	[tilespmem:s4+$0x180C0] =	vst.add.f32.msk $0xffff, v13  }
0x2e7: {  	[tilespmem:s4+$0x180D0] =	vst.add.f32.msk $0xffff, v14  }
0x2e8: {  	[tilespmem:s4+$0x180E0] =	vst.add.f32.msk $0xffff, v15  }
0x2e9: {  	[tilespmem:s4+$0x180F0] =	vst.add.f32.msk $0xffff, v16  }
0x2ea: {  	[tilespmem:s4+$0x18100] =	vst.add.f32.msk $0xffff, v17  }
0x2eb: {  	[tilespmem:s4+$0x18110] =	vst.add.f32.msk $0xffff, v18  }
0x2ec: {  	[tilespmem:s4+$0x18120] =	vst.add.f32.msk $0xffff, v19  }
0x2ed: {  	[tilespmem:s4+$0x18130] =	vst.add.f32.msk $0xffff, v20  }
0x2ee: {  	[tilespmem:s4+$0x18140] =	vst.add.f32.msk $0xffff, v21  }
0x2ef: {  	[tilespmem:s4+$0x18150] =	vst.add.f32.msk $0xffff, v22  }
0x2f0: {  	[tilespmem:s4+$0x18160] =	vst.add.f32.msk $0xffff, v23  }
0x2f1: {  	[tilespmem:s4+$0x18170] =	vst.add.f32.msk $0xffff, v24  }
0x2f2: {  	[tilespmem:s4+$0x18180] =	vst.add.f32.msk $0xffff, v25  }
.Ltmp11:
0x2f3: {  	[tilespmem:s4+$0x18190] =	vst.add.f32.msk $0xffff, v26;
	(pc) =	sbr.rel @p0 .LBB2_20-.Ltmp11, $4  }
0x2f4: {  	[tilespmem:s4+$0x181A0] =	vst.add.f32.msk $0xffff, v27  }
0x2f5: {  	[tilespmem:s4+$0x181B0] =	vst.add.f32.msk $0xffff, v28  }
0x2f6: {  	[tilespmem:s4+$0x181C0] =	vst.add.f32.msk $0xffff, v29  }
0x2f7: {  	s10 =	sadd.s32 $0x800, s10;
	[tilespmem:s4+$0x181D0] =	vst.add.f32.msk $0xffff, v30  }
.Ltmp12:
0x2f8: {  	(pc) =	sbr.rel .LBB2_2-.Ltmp12, $4  }
0x2f9: {  	s6 =	sadd.s32 s5, s19  }
0x2fa: {  	s6 =	sshll.u32 s6, $0xD  }
0x2fb: {  	[tilespmem:s4+$0x181E0] =	vst.add.f32.msk $0xffff, v0;
	s13 =	sadd.s32 $0x1, s13;
	s19 =	sadd.s32 s6, s7  }
0x2fc: {  	[hbm4b:s19+s3] =	stream.linear.scatter [tilespmem:s23], [sflag:$0xA], $0x4000, $0x38;
	[tilespmem:$0x1C000] =	vst v63  }
.LBB2_23:
0x2fd: {  	_ =	sfence.sel $0x180000  }
0x2fe: {  	[bflag:$0x0] =	sbarrier.arrive $0xFFFF  }
0x2ff: {  	_ =	strace $0x90000047  }
0x300: {  	s0 =	stileid.u32;
	[bflag:$0x2] =	sbarrier.arrive $0xFFFF  }
0x301: {  	p0 =	sne.s32 s0, $0x0;
	s0 =	rddreg [dreg:$0x4]  }
0x302: {  	s0 =	sadd.s32 @!p0 $0x100000, s0  }
0x303: {  	[sflag:s0] =	ssyncadd.tile.s32 @!p0 $0x1;
	_ =	shalt  }
.Lfunc_end2:
_tile_overlayer_lowered:
.L_overlay_start_2:
0x304: {  	(tag) =	ssettag $0x2  }
0x305: {  	s0 =	rddreg [dreg:$0x0];
	s2 =	stileid.u32  }
0x306: {  	s1 =	rddreg [dreg:$0x1];
	p0 =	sne.s32 s2, $0x0  }
0x307: {  	s3 =	rddreg [dreg:$0x2];
	[bflag:$0x3] =	sbarrier.arrive $0xFFFF;
	s2 =	simm.s32 @!p0 $0x1C0B  }
0x308: {  	[timem:s3], [sflag:s2] =	dma.local @!p0 [hbm:s0], s1  }
0x309: {  	s0 =	simm.s32 @!p0 $0xB  }
0x30a: {  	_ =	swait.ge @!p0 [sflag:s0], s1  }
0x30b: {  	s1 =	ssub.s32 @!p0 $0x0, s1;
	[sflag:s0] =	ssyncset.done @!p0 $0x0  }
0x30c: {  	[sflag:s0] =	ssyncadd.s32 @!p0 s1  }
0x30d: {  	[bflag:$0x3] =	sbarrier.arrive $0xFFFF  }
0x30e: {  	_ =	shalt  }

</sc_bundles>
